<compile_context>
chip_gen: v7x
topology: tpu7x:2x2x1
jax: 0.10.2.dev20260603
libtpu: 0.0.44.dev20260713+nightly
codegen_flags: <defaults>
</compile_context>

<pallas_src>
import functools

import jax
import jax.numpy as jnp
from jax import lax
from jax.experimental import pallas as pl
from jax.experimental.pallas import tpu as pltpu
from jax.experimental.pallas import tpu_sc as plsc

TOTAL_TOKENS = 32768
RETAIN = 8192
DROP = TOTAL_TOKENS - RETAIN
BATCH = 128

_NC = 2
_NS = 16
_NW = _NC * _NS
_ROWS_PER_W = BATCH // _NW
_L = 16
_CHUNK = 8192
_NCHUNK = TOTAL_TOKENS // _CHUNK
_NOUT = 3
_PSLICE = TOTAL_TOKENS // _NS


@functools.partial(
    pl.kernel,
    mesh=plsc.VectorSubcoreMesh(core_axis_name="c", subcore_axis_name="s"),
    compiler_params=pltpu.CompilerParams(needs_layout_passes=False),
    out_type=(
        jax.ShapeDtypeStruct((BATCH, RETAIN), jnp.float32),
        jax.ShapeDtypeStruct((BATCH, DROP), jnp.float32),
    ),
    scratch_types=[
        pltpu.VMEM((TOTAL_TOKENS,), jnp.int32),
        pltpu.VMEM((TOTAL_TOKENS,), jnp.float32),
        pltpu.VMEM((TOTAL_TOKENS,), jnp.float32),
        pltpu.VMEM((_CHUNK,), jnp.float32),
        pltpu.VMEM((_CHUNK,), jnp.float32),
        pltpu.VMEM((_CHUNK,), jnp.float32),
        pltpu.VMEM_SHARED((TOTAL_TOKENS,), jnp.int32),
        pltpu.SemaphoreType.DMA,
        pltpu.SemaphoreType.DMA,
        pltpu.SemaphoreType.DMA,
        pltpu.SemaphoreType.DMA,
        pltpu.SemaphoreType.DMA,
        pltpu.SemaphoreType.DMA,
    ],
)
def _sampler(x_hbm, perm_hbm, y_hbm, z_hbm, perm_v, row0_v, row1_v,
             o0_v, o1_v, o2_v, perm_s, sem_perm, sem_r0, sem_r1,
             so0, so1, so2):
    sid = lax.axis_index("s")
    wid = sid * _NC + lax.axis_index("c")
    base = wid * _ROWS_PER_W
    rows = (row0_v, row1_v)
    row_sems = (sem_r0, sem_r1)
    outs = (o0_v, o1_v, o2_v)
    out_sems = (so0, so1, so2)

    psl = pl.ds(sid * _PSLICE, _PSLICE)
    pltpu.sync_copy(perm_hbm.at[psl], perm_s.at[psl])
    row_cp = [None, None]
    row_cp[0] = pltpu.async_copy(x_hbm.at[base], row0_v, sem_r0)
    plsc.subcore_barrier()
    pltpu.sync_copy(perm_s, perm_v)

    out_cp = [None] * _NOUT
    for r in range(_ROWS_PER_W):
        rb = r % 2
        row_cp[rb].wait()
        if r + 1 < _ROWS_PER_W:
            nb = (r + 1) % 2
            row_cp[nb] = pltpu.async_copy(
                x_hbm.at[base + r + 1], rows[nb], row_sems[nb])
        row_v = rows[rb]
        for c in range(_NCHUNK):
            g = r * _NCHUNK + c
            ob = g % _NOUT
            if out_cp[ob] is not None:
                out_cp[ob].wait()
            out_v = outs[ob]

            @plsc.parallel_loop(0, _CHUNK, step=_L, unroll=8)
            def _gather(j):
                idx = perm_v[pl.ds(c * _CHUNK + j, _L)]
                out_v[pl.ds(j, _L)] = plsc.load_gather(row_v, [idx])

            if c == 0:
                dst = y_hbm.at[base + r]
            else:
                dst = z_hbm.at[base + r, pl.ds((c - 1) * _CHUNK, _CHUNK)]
            out_cp[ob] = pltpu.async_copy(out_v, dst, out_sems[ob])
    for cp in out_cp:
        cp.wait()


def kernel(x, perm):
    return _sampler(x, perm.astype(jnp.int32))

# --- scband reference (transcript-rebuilt; emitter-appended) ---
"""Pipeline reference for scband-sampler-8787503087999 (READ-ONLY COPY).

The authoritative reference and input builder live on the scoring server;
editing this copy changes nothing except your own understanding.
"""

import jax, jax.numpy as jnp
import numpy as np

TOTAL_TOKENS = 32768
MASK_PER = 25
RETAIN = TOTAL_TOKENS * MASK_PER // 100  # 8192
BATCH = 128


def setup_inputs(seed: int = 0) -> dict:
    key = jax.random.key(seed)
    kx, kp = jax.random.split(key)
    x = jax.random.normal(kx, (BATCH, TOTAL_TOKENS), dtype=jnp.float32)
    # torch module draws torch.randperm(total_tokens) inside shuffle(); we
    # materialize an equivalent deterministic permutation as an input.
    perm = jax.random.permutation(kp, TOTAL_TOKENS).astype(jnp.int64)
    return {"x": x, "perm": perm}


def reference(x, perm):
    # Sampler.shuffle: x = x[:, perm]; split into (retain, total - retain)
    xp = jnp.take(x, perm, axis=1)
    y = xp[:, :RETAIN]
    z = xp[:, RETAIN:]
    return (y, z)

if __name__ == "__main__":
    import jax
    _d = setup_inputs()
    print(jax.jit(kernel)(*tuple(_d.values())))

</pallas_src>

<mosaic_0001>
#map = affine_map<(d0, d1) -> (0, 0)>
#map1 = affine_map<(d0, d1) -> (0)>
module attributes {stable_mosaic.version = 14 : i64} {
  func.func @_sampler(%arg0: i32, %arg1: i32, %arg2: memref<128x32768xf32, #tpu.memory_space<hbm>>, %arg3: memref<32768xi32, #tpu.memory_space<hbm>>, %arg4: memref<128x8192xf32, #tpu.memory_space<hbm>>, %arg5: memref<128x24576xf32, #tpu.memory_space<hbm>>, %arg6: memref<32768xi32, #tpu.memory_space<vmem>>, %arg7: memref<32768xf32, #tpu.memory_space<vmem>>, %arg8: memref<32768xf32, #tpu.memory_space<vmem>>, %arg9: memref<8192xf32, #tpu.memory_space<vmem>>, %arg10: memref<8192xf32, #tpu.memory_space<vmem>>, %arg11: memref<8192xf32, #tpu.memory_space<vmem>>, %arg12: memref<32768xi32, #tpu.memory_space<vmem_shared>>, %arg13: memref<!tpu.dma_semaphore, #tpu.memory_space<semaphore_mem>>, %arg14: memref<!tpu.dma_semaphore, #tpu.memory_space<semaphore_mem>>, %arg15: memref<!tpu.dma_semaphore, #tpu.memory_space<semaphore_mem>>, %arg16: memref<!tpu.dma_semaphore, #tpu.memory_space<semaphore_mem>>, %arg17: memref<!tpu.dma_semaphore, #tpu.memory_space<semaphore_mem>>, %arg18: memref<!tpu.dma_semaphore, #tpu.memory_space<semaphore_mem>>) attributes {dimension_semantics = [#tpu.dimension_semantics<core_parallel>, #tpu.dimension_semantics<subcore_parallel>], iteration_bounds = array<i64: 2, 16>, scalar_prefetch = 0 : i64, scratch_operands = 13 : i64, tpu.core_type = #tpu.core_type<sc_vector_subcore>, window_params = [{transform_indices = #map}, {transform_indices = #map1}, {transform_indices = #map}, {transform_indices = #map}]} {
    %mul3A = arith.constant 2 : i32
    %mul3A_0 = arith.muli %arg1, %mul3A : i32
    %add3A = arith.addi %mul3A_0, %arg0 : i32
    %mul3A_1 = arith.constant 4 : i32
    %mul3A_2 = arith.muli %add3A, %mul3A_1 : i32
    %mul3A_3 = arith.constant 2048 : i32
    %mul3A_4 = arith.muli %arg1, %mul3A_3 : i32
    "tpu.region"() ({
      %run_scoped3A = tpu.sem_alloc : memref<!tpu.dma_semaphore, #tpu.memory_space<semaphore_mem>>
      %dma_start3A_334 = tpu.memref_slice %arg12[%mul3A_4] : memref<32768xi32, #tpu.memory_space<vmem_shared>> -> memref<2048xi32, #tpu.memory_space<vmem_shared>>
      %dma_start3A_335 = tpu.memref_slice %arg3[%mul3A_4] : memref<32768xi32, #tpu.memory_space<hbm>> -> memref<2048xi32, #tpu.memory_space<hbm>>
      tpu.enqueue_dma source(%dma_start3A_335 : memref<2048xi32, #tpu.memory_space<hbm>>) target(%dma_start3A_334 : memref<2048xi32, #tpu.memory_space<vmem_shared>>) target_semaphore(%run_scoped3A : memref<!tpu.dma_semaphore, #tpu.memory_space<semaphore_mem>>)
      %dma_wait3A_336 = tpu.memref_slice %arg12[%mul3A_4] : memref<32768xi32, #tpu.memory_space<vmem_shared>> -> memref<2048xi32, #tpu.memory_space<vmem_shared>>
      %dma_wait3A_337 = tpu.memref_slice %arg3[%mul3A_4] : memref<32768xi32, #tpu.memory_space<hbm>> -> memref<2048xi32, #tpu.memory_space<hbm>>
      tpu.wait_dma2 semaphore(%run_scoped3A : memref<!tpu.dma_semaphore, #tpu.memory_space<semaphore_mem>>) src(%dma_wait3A_337 : memref<2048xi32, #tpu.memory_space<hbm>>) dst(%dma_wait3A_336 : memref<2048xi32, #tpu.memory_space<vmem_shared>>)
      tpu.yield
    }) : () -> ()
    %dma_start3A = arith.constant 0 : i32
    %dma_start3A_5 = tpu.memref_slice %arg2[%mul3A_2, %dma_start3A] : memref<128x32768xf32, #tpu.memory_space<hbm>> -> memref<1x32768xf32, #tpu.memory_space<hbm>>
    %dma_start3A_6 = tpu.memref_squeeze %dma_start3A_5 : memref<1x32768xf32, #tpu.memory_space<hbm>> -> memref<32768xf32, #tpu.memory_space<hbm>>
    %dma_start3A_7 = arith.constant 0 : i32
    %dma_start3A_8 = tpu.memref_slice %arg2[%mul3A_2, %dma_start3A_7] : memref<128x32768xf32, #tpu.memory_space<hbm>> -> memref<1x32768xf32, #tpu.memory_space<hbm>>
    %dma_start3A_9 = tpu.memref_squeeze %dma_start3A_8 : memref<1x32768xf32, #tpu.memory_space<hbm>> -> memref<32768xf32, #tpu.memory_space<hbm>>
    tpu.enqueue_dma source(%dma_start3A_9 : memref<32768xf32, #tpu.memory_space<hbm>>) target(%arg7 : memref<32768xf32, #tpu.memory_space<vmem>>) target_semaphore(%arg14 : memref<!tpu.dma_semaphore, #tpu.memory_space<semaphore_mem>>)
    %barrier3A = arith.constant 0 : index
    tpu.barrier barrier_id(%barrier3A)
    "tpu.region"() ({
      %run_scoped3A = tpu.sem_alloc : memref<!tpu.dma_semaphore, #tpu.memory_space<semaphore_mem>>
      tpu.enqueue_dma source(%arg12 : memref<32768xi32, #tpu.memory_space<vmem_shared>>) target(%arg6 : memref<32768xi32, #tpu.memory_space<vmem>>) target_semaphore(%run_scoped3A : memref<!tpu.dma_semaphore, #tpu.memory_space<semaphore_mem>>)
      tpu.wait_dma2 semaphore(%run_scoped3A : memref<!tpu.dma_semaphore, #tpu.memory_space<semaphore_mem>>) src(%arg12 : memref<32768xi32, #tpu.memory_space<vmem_shared>>) dst(%arg6 : memref<32768xi32, #tpu.memory_space<vmem>>)
      tpu.yield
    }) : () -> ()
    %dma_wait3A = arith.constant 0 : i32
    %dma_wait3A_10 = tpu.memref_slice %arg2[%mul3A_2, %dma_wait3A] : memref<128x32768xf32, #tpu.memory_space<hbm>> -> memref<1x32768xf32, #tpu.memory_space<hbm>>
    %dma_wait3A_11 = tpu.memref_squeeze %dma_wait3A_10 : memref<1x32768xf32, #tpu.memory_space<hbm>> -> memref<32768xf32, #tpu.memory_space<hbm>>
    %dma_wait3A_12 = arith.constant 0 : i32
    %dma_wait3A_13 = tpu.memref_slice %arg2[%mul3A_2, %dma_wait3A_12] : memref<128x32768xf32, #tpu.memory_space<hbm>> -> memref<1x32768xf32, #tpu.memory_space<hbm>>
    %dma_wait3A_14 = tpu.memref_squeeze %dma_wait3A_13 : memref<1x32768xf32, #tpu.memory_space<hbm>> -> memref<32768xf32, #tpu.memory_space<hbm>>
    tpu.wait_dma2 semaphore(%arg14 : memref<!tpu.dma_semaphore, #tpu.memory_space<semaphore_mem>>) src(%dma_wait3A_14 : memref<32768xf32, #tpu.memory_space<hbm>>) dst(%arg7 : memref<32768xf32, #tpu.memory_space<vmem>>)
    %add3A_15 = arith.constant 0 : i32
    %add3A_16 = arith.addi %mul3A_2, %add3A_15 : i32
    %add3A_17 = arith.constant 1 : i32
    %add3A_18 = arith.addi %add3A_16, %add3A_17 : i32
    %dma_start3A_19 = arith.constant 0 : i32
    %dma_start3A_20 = tpu.memref_slice %arg2[%add3A_18, %dma_start3A_19] : memref<128x32768xf32, #tpu.memory_space<hbm>> -> memref<1x32768xf32, #tpu.memory_space<hbm>>
    %dma_start3A_21 = tpu.memref_squeeze %dma_start3A_20 : memref<1x32768xf32, #tpu.memory_space<hbm>> -> memref<32768xf32, #tpu.memory_space<hbm>>
    %dma_start3A_22 = arith.constant 0 : i32
    %dma_start3A_23 = tpu.memref_slice %arg2[%add3A_18, %dma_start3A_22] : memref<128x32768xf32, #tpu.memory_space<hbm>> -> memref<1x32768xf32, #tpu.memory_space<hbm>>
    %dma_start3A_24 = tpu.memref_squeeze %dma_start3A_23 : memref<1x32768xf32, #tpu.memory_space<hbm>> -> memref<32768xf32, #tpu.memory_space<hbm>>
    tpu.enqueue_dma source(%dma_start3A_24 : memref<32768xf32, #tpu.memory_space<hbm>>) target(%arg8 : memref<32768xf32, #tpu.memory_space<vmem>>) target_semaphore(%arg15 : memref<!tpu.dma_semaphore, #tpu.memory_space<semaphore_mem>>)
    %parallel_loop3A = arith.constant 0 : i32
    %parallel_loop3A_25 = arith.constant 8192 : i32
    %parallel_loop3A_26 = arith.constant 16 : i32
    scf.for %parallel_loop3A_334 = %parallel_loop3A to %parallel_loop3A_25 step %parallel_loop3A_26  : i32 {
      %parallel_loop3A_335 = arith.constant 0 : i32
      %parallel_loop3A_336 = arith.addi %parallel_loop3A_335, %parallel_loop3A_334 : i32
      %parallel_loop3A_337 = arith.index_cast %parallel_loop3A_336 : i32 to index
      %parallel_loop3A_338 = tpu.vector_load %arg6[%parallel_loop3A_337] {strides = array<i32>} : memref<32768xi32, #tpu.memory_space<vmem>>, vector<16xi32>,
      %parallel_loop3A_339 = tpu.vector_load_idx %arg7[%parallel_loop3A_338] : memref<32768xf32, #tpu.memory_space<vmem>>[vector<16xi32>], vector<16xf32>,
      %parallel_loop3A_340 = arith.index_cast %parallel_loop3A_334 : i32 to index
      %parallel_loop3A_341 = tpu.vector_load %arg9[%parallel_loop3A_340] {strides = array<i32>} : memref<8192xf32, #tpu.memory_space<vmem>>, vector<16xf32>,
      tpu.vector_store %arg9[%parallel_loop3A_340], %parallel_loop3A_339 {strides = array<i32>} : memref<8192xf32, #tpu.memory_space<vmem>>, vector<16xf32>,
    } {sc.loop_unroll_factor = 8 : i64, sc.parallel_access}
    %add3A_27 = arith.constant 0 : i32
    %add3A_28 = arith.addi %mul3A_2, %add3A_27 : i32
    %dma_start3A_29 = arith.constant 0 : i32
    %dma_start3A_30 = tpu.memref_slice %arg4[%add3A_28, %dma_start3A_29] : memref<128x8192xf32, #tpu.memory_space<hbm>> -> memref<1x8192xf32, #tpu.memory_space<hbm>>
    %dma_start3A_31 = tpu.memref_squeeze %dma_start3A_30 : memref<1x8192xf32, #tpu.memory_space<hbm>> -> memref<8192xf32, #tpu.memory_space<hbm>>
    %dma_start3A_32 = arith.constant 0 : i32
    %dma_start3A_33 = tpu.memref_slice %arg4[%add3A_28, %dma_start3A_32] : memref<128x8192xf32, #tpu.memory_space<hbm>> -> memref<1x8192xf32, #tpu.memory_space<hbm>>
    %dma_start3A_34 = tpu.memref_squeeze %dma_start3A_33 : memref<1x8192xf32, #tpu.memory_space<hbm>> -> memref<8192xf32, #tpu.memory_space<hbm>>
    tpu.enqueue_dma source(%arg9 : memref<8192xf32, #tpu.memory_space<vmem>>) target(%dma_start3A_34 : memref<8192xf32, #tpu.memory_space<hbm>>) target_semaphore(%arg16 : memref<!tpu.dma_semaphore, #tpu.memory_space<semaphore_mem>>)
    %parallel_loop3A_35 = arith.constant 0 : i32
    %parallel_loop3A_36 = arith.constant 8192 : i32
    %parallel_loop3A_37 = arith.constant 16 : i32
    scf.for %parallel_loop3A_334 = %parallel_loop3A_35 to %parallel_loop3A_36 step %parallel_loop3A_37  : i32 {
      %parallel_loop3A_335 = arith.constant 8192 : i32
      %parallel_loop3A_336 = arith.addi %parallel_loop3A_335, %parallel_loop3A_334 : i32
      %parallel_loop3A_337 = arith.index_cast %parallel_loop3A_336 : i32 to index
      %parallel_loop3A_338 = tpu.vector_load %arg6[%parallel_loop3A_337] {strides = array<i32>} : memref<32768xi32, #tpu.memory_space<vmem>>, vector<16xi32>,
      %parallel_loop3A_339 = tpu.vector_load_idx %arg7[%parallel_loop3A_338] : memref<32768xf32, #tpu.memory_space<vmem>>[vector<16xi32>], vector<16xf32>,
      %parallel_loop3A_340 = arith.index_cast %parallel_loop3A_334 : i32 to index
      %parallel_loop3A_341 = tpu.vector_load %arg10[%parallel_loop3A_340] {strides = array<i32>} : memref<8192xf32, #tpu.memory_space<vmem>>, vector<16xf32>,
      tpu.vector_store %arg10[%parallel_loop3A_340], %parallel_loop3A_339 {strides = array<i32>} : memref<8192xf32, #tpu.memory_space<vmem>>, vector<16xf32>,
    } {sc.loop_unroll_factor = 8 : i64, sc.parallel_access}
    %add3A_38 = arith.constant 0 : i32
    %add3A_39 = arith.addi %mul3A_2, %add3A_38 : i32
    %dma_start3A_40 = arith.constant 0 : i32
    %dma_start3A_41 = tpu.memref_slice %arg5[%add3A_39, %dma_start3A_40] : memref<128x24576xf32, #tpu.memory_space<hbm>> -> memref<1x8192xf32, #tpu.memory_space<hbm>>
    %dma_start3A_42 = tpu.memref_squeeze %dma_start3A_41 : memref<1x8192xf32, #tpu.memory_space<hbm>> -> memref<8192xf32, #tpu.memory_space<hbm>>
    %dma_start3A_43 = arith.constant 0 : i32
    %dma_start3A_44 = tpu.memref_slice %arg5[%add3A_39, %dma_start3A_43] : memref<128x24576xf32, #tpu.memory_space<hbm>> -> memref<1x8192xf32, #tpu.memory_space<hbm>>
    %dma_start3A_45 = tpu.memref_squeeze %dma_start3A_44 : memref<1x8192xf32, #tpu.memory_space<hbm>> -> memref<8192xf32, #tpu.memory_space<hbm>>
    tpu.enqueue_dma source(%arg10 : memref<8192xf32, #tpu.memory_space<vmem>>) target(%dma_start3A_45 : memref<8192xf32, #tpu.memory_space<hbm>>) target_semaphore(%arg17 : memref<!tpu.dma_semaphore, #tpu.memory_space<semaphore_mem>>)
    %parallel_loop3A_46 = arith.constant 0 : i32
    %parallel_loop3A_47 = arith.constant 8192 : i32
    %parallel_loop3A_48 = arith.constant 16 : i32
    scf.for %parallel_loop3A_334 = %parallel_loop3A_46 to %parallel_loop3A_47 step %parallel_loop3A_48  : i32 {
      %parallel_loop3A_335 = arith.constant 16384 : i32
      %parallel_loop3A_336 = arith.addi %parallel_loop3A_335, %parallel_loop3A_334 : i32
      %parallel_loop3A_337 = arith.index_cast %parallel_loop3A_336 : i32 to index
      %parallel_loop3A_338 = tpu.vector_load %arg6[%parallel_loop3A_337] {strides = array<i32>} : memref<32768xi32, #tpu.memory_space<vmem>>, vector<16xi32>,
      %parallel_loop3A_339 = tpu.vector_load_idx %arg7[%parallel_loop3A_338] : memref<32768xf32, #tpu.memory_space<vmem>>[vector<16xi32>], vector<16xf32>,
      %parallel_loop3A_340 = arith.index_cast %parallel_loop3A_334 : i32 to index
      %parallel_loop3A_341 = tpu.vector_load %arg11[%parallel_loop3A_340] {strides = array<i32>} : memref<8192xf32, #tpu.memory_space<vmem>>, vector<16xf32>,
      tpu.vector_store %arg11[%parallel_loop3A_340], %parallel_loop3A_339 {strides = array<i32>} : memref<8192xf32, #tpu.memory_space<vmem>>, vector<16xf32>,
    } {sc.loop_unroll_factor = 8 : i64, sc.parallel_access}
    %add3A_49 = arith.constant 0 : i32
    %add3A_50 = arith.addi %mul3A_2, %add3A_49 : i32
    %dma_start3A_51 = arith.constant 8192 : i32
    %dma_start3A_52 = tpu.memref_slice %arg5[%add3A_50, %dma_start3A_51] : memref<128x24576xf32, #tpu.memory_space<hbm>> -> memref<1x8192xf32, #tpu.memory_space<hbm>>
    %dma_start3A_53 = tpu.memref_squeeze %dma_start3A_52 : memref<1x8192xf32, #tpu.memory_space<hbm>> -> memref<8192xf32, #tpu.memory_space<hbm>>
    %dma_start3A_54 = arith.constant 8192 : i32
    %dma_start3A_55 = tpu.memref_slice %arg5[%add3A_50, %dma_start3A_54] : memref<128x24576xf32, #tpu.memory_space<hbm>> -> memref<1x8192xf32, #tpu.memory_space<hbm>>
    %dma_start3A_56 = tpu.memref_squeeze %dma_start3A_55 : memref<1x8192xf32, #tpu.memory_space<hbm>> -> memref<8192xf32, #tpu.memory_space<hbm>>
    tpu.enqueue_dma source(%arg11 : memref<8192xf32, #tpu.memory_space<vmem>>) target(%dma_start3A_56 : memref<8192xf32, #tpu.memory_space<hbm>>) target_semaphore(%arg18 : memref<!tpu.dma_semaphore, #tpu.memory_space<semaphore_mem>>)
    %dma_wait3A_57 = arith.constant 0 : i32
    %dma_wait3A_58 = tpu.memref_slice %arg4[%add3A_28, %dma_wait3A_57] : memref<128x8192xf32, #tpu.memory_space<hbm>> -> memref<1x8192xf32, #tpu.memory_space<hbm>>
    %dma_wait3A_59 = tpu.memref_squeeze %dma_wait3A_58 : memref<1x8192xf32, #tpu.memory_space<hbm>> -> memref<8192xf32, #tpu.memory_space<hbm>>
    %dma_wait3A_60 = arith.constant 0 : i32
    %dma_wait3A_61 = tpu.memref_slice %arg4[%add3A_28, %dma_wait3A_60] : memref<128x8192xf32, #tpu.memory_space<hbm>> -> memref<1x8192xf32, #tpu.memory_space<hbm>>
    %dma_wait3A_62 = tpu.memref_squeeze %dma_wait3A_61 : memref<1x8192xf32, #tpu.memory_space<hbm>> -> memref<8192xf32, #tpu.memory_space<hbm>>
    tpu.wait_dma2 semaphore(%arg16 : memref<!tpu.dma_semaphore, #tpu.memory_space<semaphore_mem>>) src(%arg9 : memref<8192xf32, #tpu.memory_space<vmem>>) dst(%dma_wait3A_62 : memref<8192xf32, #tpu.memory_space<hbm>>)
    %parallel_loop3A_63 = arith.constant 0 : i32
    %parallel_loop3A_64 = arith.constant 8192 : i32
    %parallel_loop3A_65 = arith.constant 16 : i32
    scf.for %parallel_loop3A_334 = %parallel_loop3A_63 to %parallel_loop3A_64 step %parallel_loop3A_65  : i32 {
      %parallel_loop3A_335 = arith.constant 24576 : i32
      %parallel_loop3A_336 = arith.addi %parallel_loop3A_335, %parallel_loop3A_334 : i32
      %parallel_loop3A_337 = arith.index_cast %parallel_loop3A_336 : i32 to index
      %parallel_loop3A_338 = tpu.vector_load %arg6[%parallel_loop3A_337] {strides = array<i32>} : memref<32768xi32, #tpu.memory_space<vmem>>, vector<16xi32>,
      %parallel_loop3A_339 = tpu.vector_load_idx %arg7[%parallel_loop3A_338] : memref<32768xf32, #tpu.memory_space<vmem>>[vector<16xi32>], vector<16xf32>,
      %parallel_loop3A_340 = arith.index_cast %parallel_loop3A_334 : i32 to index
      %parallel_loop3A_341 = tpu.vector_load %arg9[%parallel_loop3A_340] {strides = array<i32>} : memref<8192xf32, #tpu.memory_space<vmem>>, vector<16xf32>,
      tpu.vector_store %arg9[%parallel_loop3A_340], %parallel_loop3A_339 {strides = array<i32>} : memref<8192xf32, #tpu.memory_space<vmem>>, vector<16xf32>,
    } {sc.loop_unroll_factor = 8 : i64, sc.parallel_access}
    %add3A_66 = arith.constant 0 : i32
    %add3A_67 = arith.addi %mul3A_2, %add3A_66 : i32
    %dma_start3A_68 = arith.constant 16384 : i32
    %dma_start3A_69 = tpu.memref_slice %arg5[%add3A_67, %dma_start3A_68] : memref<128x24576xf32, #tpu.memory_space<hbm>> -> memref<1x8192xf32, #tpu.memory_space<hbm>>
    %dma_start3A_70 = tpu.memref_squeeze %dma_start3A_69 : memref<1x8192xf32, #tpu.memory_space<hbm>> -> memref<8192xf32, #tpu.memory_space<hbm>>
    %dma_start3A_71 = arith.constant 16384 : i32
    %dma_start3A_72 = tpu.memref_slice %arg5[%add3A_67, %dma_start3A_71] : memref<128x24576xf32, #tpu.memory_space<hbm>> -> memref<1x8192xf32, #tpu.memory_space<hbm>>
    %dma_start3A_73 = tpu.memref_squeeze %dma_start3A_72 : memref<1x8192xf32, #tpu.memory_space<hbm>> -> memref<8192xf32, #tpu.memory_space<hbm>>
    tpu.enqueue_dma source(%arg9 : memref<8192xf32, #tpu.memory_space<vmem>>) target(%dma_start3A_73 : memref<8192xf32, #tpu.memory_space<hbm>>) target_semaphore(%arg16 : memref<!tpu.dma_semaphore, #tpu.memory_space<semaphore_mem>>)
    %dma_wait3A_74 = arith.constant 0 : i32
    %dma_wait3A_75 = tpu.memref_slice %arg2[%add3A_18, %dma_wait3A_74] : memref<128x32768xf32, #tpu.memory_space<hbm>> -> memref<1x32768xf32, #tpu.memory_space<hbm>>
    %dma_wait3A_76 = tpu.memref_squeeze %dma_wait3A_75 : memref<1x32768xf32, #tpu.memory_space<hbm>> -> memref<32768xf32, #tpu.memory_space<hbm>>
    %dma_wait3A_77 = arith.constant 0 : i32
    %dma_wait3A_78 = tpu.memref_slice %arg2[%add3A_18, %dma_wait3A_77] : memref<128x32768xf32, #tpu.memory_space<hbm>> -> memref<1x32768xf32, #tpu.memory_space<hbm>>
    %dma_wait3A_79 = tpu.memref_squeeze %dma_wait3A_78 : memref<1x32768xf32, #tpu.memory_space<hbm>> -> memref<32768xf32, #tpu.memory_space<hbm>>
    tpu.wait_dma2 semaphore(%arg15 : memref<!tpu.dma_semaphore, #tpu.memory_space<semaphore_mem>>) src(%dma_wait3A_79 : memref<32768xf32, #tpu.memory_space<hbm>>) dst(%arg8 : memref<32768xf32, #tpu.memory_space<vmem>>)
    %add3A_80 = arith.constant 1 : i32
    %add3A_81 = arith.addi %mul3A_2, %add3A_80 : i32
    %add3A_82 = arith.constant 1 : i32
    %add3A_83 = arith.addi %add3A_81, %add3A_82 : i32
    %dma_start3A_84 = arith.constant 0 : i32
    %dma_start3A_85 = tpu.memref_slice %arg2[%add3A_83, %dma_start3A_84] : memref<128x32768xf32, #tpu.memory_space<hbm>> -> memref<1x32768xf32, #tpu.memory_space<hbm>>
    %dma_start3A_86 = tpu.memref_squeeze %dma_start3A_85 : memref<1x32768xf32, #tpu.memory_space<hbm>> -> memref<32768xf32, #tpu.memory_space<hbm>>
    %dma_start3A_87 = arith.constant 0 : i32
    %dma_start3A_88 = tpu.memref_slice %arg2[%add3A_83, %dma_start3A_87] : memref<128x32768xf32, #tpu.memory_space<hbm>> -> memref<1x32768xf32, #tpu.memory_space<hbm>>
    %dma_start3A_89 = tpu.memref_squeeze %dma_start3A_88 : memref<1x32768xf32, #tpu.memory_space<hbm>> -> memref<32768xf32, #tpu.memory_space<hbm>>
    tpu.enqueue_dma source(%dma_start3A_89 : memref<32768xf32, #tpu.memory_space<hbm>>) target(%arg7 : memref<32768xf32, #tpu.memory_space<vmem>>) target_semaphore(%arg14 : memref<!tpu.dma_semaphore, #tpu.memory_space<semaphore_mem>>)
    %dma_wait3A_90 = arith.constant 0 : i32
    %dma_wait3A_91 = tpu.memref_slice %arg5[%add3A_39, %dma_wait3A_90] : memref<128x24576xf32, #tpu.memory_space<hbm>> -> memref<1x8192xf32, #tpu.memory_space<hbm>>
    %dma_wait3A_92 = tpu.memref_squeeze %dma_wait3A_91 : memref<1x8192xf32, #tpu.memory_space<hbm>> -> memref<8192xf32, #tpu.memory_space<hbm>>
    %dma_wait3A_93 = arith.constant 0 : i32
    %dma_wait3A_94 = tpu.memref_slice %arg5[%add3A_39, %dma_wait3A_93] : memref<128x24576xf32, #tpu.memory_space<hbm>> -> memref<1x8192xf32, #tpu.memory_space<hbm>>
    %dma_wait3A_95 = tpu.memref_squeeze %dma_wait3A_94 : memref<1x8192xf32, #tpu.memory_space<hbm>> -> memref<8192xf32, #tpu.memory_space<hbm>>
    tpu.wait_dma2 semaphore(%arg17 : memref<!tpu.dma_semaphore, #tpu.memory_space<semaphore_mem>>) src(%arg10 : memref<8192xf32, #tpu.memory_space<vmem>>) dst(%dma_wait3A_95 : memref<8192xf32, #tpu.memory_space<hbm>>)
    %parallel_loop3A_96 = arith.constant 0 : i32
    %parallel_loop3A_97 = arith.constant 8192 : i32
    %parallel_loop3A_98 = arith.constant 16 : i32
    scf.for %parallel_loop3A_334 = %parallel_loop3A_96 to %parallel_loop3A_97 step %parallel_loop3A_98  : i32 {
      %parallel_loop3A_335 = arith.constant 0 : i32
      %parallel_loop3A_336 = arith.addi %parallel_loop3A_335, %parallel_loop3A_334 : i32
      %parallel_loop3A_337 = arith.index_cast %parallel_loop3A_336 : i32 to index
      %parallel_loop3A_338 = tpu.vector_load %arg6[%parallel_loop3A_337] {strides = array<i32>} : memref<32768xi32, #tpu.memory_space<vmem>>, vector<16xi32>,
      %parallel_loop3A_339 = tpu.vector_load_idx %arg8[%parallel_loop3A_338] : memref<32768xf32, #tpu.memory_space<vmem>>[vector<16xi32>], vector<16xf32>,
      %parallel_loop3A_340 = arith.index_cast %parallel_loop3A_334 : i32 to index
      %parallel_loop3A_341 = tpu.vector_load %arg10[%parallel_loop3A_340] {strides = array<i32>} : memref<8192xf32, #tpu.memory_space<vmem>>, vector<16xf32>,
      tpu.vector_store %arg10[%parallel_loop3A_340], %parallel_loop3A_339 {strides = array<i32>} : memref<8192xf32, #tpu.memory_space<vmem>>, vector<16xf32>,
    } {sc.loop_unroll_factor = 8 : i64, sc.parallel_access}
    %add3A_99 = arith.constant 1 : i32
    %add3A_100 = arith.addi %mul3A_2, %add3A_99 : i32
    %dma_start3A_101 = arith.constant 0 : i32
    %dma_start3A_102 = tpu.memref_slice %arg4[%add3A_100, %dma_start3A_101] : memref<128x8192xf32, #tpu.memory_space<hbm>> -> memref<1x8192xf32, #tpu.memory_space<hbm>>
    %dma_start3A_103 = tpu.memref_squeeze %dma_start3A_102 : memref<1x8192xf32, #tpu.memory_space<hbm>> -> memref<8192xf32, #tpu.memory_space<hbm>>
    %dma_start3A_104 = arith.constant 0 : i32
    %dma_start3A_105 = tpu.memref_slice %arg4[%add3A_100, %dma_start3A_104] : memref<128x8192xf32, #tpu.memory_space<hbm>> -> memref<1x8192xf32, #tpu.memory_space<hbm>>
    %dma_start3A_106 = tpu.memref_squeeze %dma_start3A_105 : memref<1x8192xf32, #tpu.memory_space<hbm>> -> memref<8192xf32, #tpu.memory_space<hbm>>
    tpu.enqueue_dma source(%arg10 : memref<8192xf32, #tpu.memory_space<vmem>>) target(%dma_start3A_106 : memref<8192xf32, #tpu.memory_space<hbm>>) target_semaphore(%arg17 : memref<!tpu.dma_semaphore, #tpu.memory_space<semaphore_mem>>)
    %dma_wait3A_107 = arith.constant 8192 : i32
    %dma_wait3A_108 = tpu.memref_slice %arg5[%add3A_50, %dma_wait3A_107] : memref<128x24576xf32, #tpu.memory_space<hbm>> -> memref<1x8192xf32, #tpu.memory_space<hbm>>
    %dma_wait3A_109 = tpu.memref_squeeze %dma_wait3A_108 : memref<1x8192xf32, #tpu.memory_space<hbm>> -> memref<8192xf32, #tpu.memory_space<hbm>>
    %dma_wait3A_110 = arith.constant 8192 : i32
    %dma_wait3A_111 = tpu.memref_slice %arg5[%add3A_50, %dma_wait3A_110] : memref<128x24576xf32, #tpu.memory_space<hbm>> -> memref<1x8192xf32, #tpu.memory_space<hbm>>
    %dma_wait3A_112 = tpu.memref_squeeze %dma_wait3A_111 : memref<1x8192xf32, #tpu.memory_space<hbm>> -> memref<8192xf32, #tpu.memory_space<hbm>>
    tpu.wait_dma2 semaphore(%arg18 : memref<!tpu.dma_semaphore, #tpu.memory_space<semaphore_mem>>) src(%arg11 : memref<8192xf32, #tpu.memory_space<vmem>>) dst(%dma_wait3A_112 : memref<8192xf32, #tpu.memory_space<hbm>>)
    %parallel_loop3A_113 = arith.constant 0 : i32
    %parallel_loop3A_114 = arith.constant 8192 : i32
    %parallel_loop3A_115 = arith.constant 16 : i32
    scf.for %parallel_loop3A_334 = %parallel_loop3A_113 to %parallel_loop3A_114 step %parallel_loop3A_115  : i32 {
      %parallel_loop3A_335 = arith.constant 8192 : i32
      %parallel_loop3A_336 = arith.addi %parallel_loop3A_335, %parallel_loop3A_334 : i32
      %parallel_loop3A_337 = arith.index_cast %parallel_loop3A_336 : i32 to index
      %parallel_loop3A_338 = tpu.vector_load %arg6[%parallel_loop3A_337] {strides = array<i32>} : memref<32768xi32, #tpu.memory_space<vmem>>, vector<16xi32>,
      %parallel_loop3A_339 = tpu.vector_load_idx %arg8[%parallel_loop3A_338] : memref<32768xf32, #tpu.memory_space<vmem>>[vector<16xi32>], vector<16xf32>,
      %parallel_loop3A_340 = arith.index_cast %parallel_loop3A_334 : i32 to index
      %parallel_loop3A_341 = tpu.vector_load %arg11[%parallel_loop3A_340] {strides = array<i32>} : memref<8192xf32, #tpu.memory_space<vmem>>, vector<16xf32>,
      tpu.vector_store %arg11[%parallel_loop3A_340], %parallel_loop3A_339 {strides = array<i32>} : memref<8192xf32, #tpu.memory_space<vmem>>, vector<16xf32>,
    } {sc.loop_unroll_factor = 8 : i64, sc.parallel_access}
    %add3A_116 = arith.constant 1 : i32
    %add3A_117 = arith.addi %mul3A_2, %add3A_116 : i32
    %dma_start3A_118 = arith.constant 0 : i32
    %dma_start3A_119 = tpu.memref_slice %arg5[%add3A_117, %dma_start3A_118] : memref<128x24576xf32, #tpu.memory_space<hbm>> -> memref<1x8192xf32, #tpu.memory_space<hbm>>
    %dma_start3A_120 = tpu.memref_squeeze %dma_start3A_119 : memref<1x8192xf32, #tpu.memory_space<hbm>> -> memref<8192xf32, #tpu.memory_space<hbm>>
    %dma_start3A_121 = arith.constant 0 : i32
    %dma_start3A_122 = tpu.memref_slice %arg5[%add3A_117, %dma_start3A_121] : memref<128x24576xf32, #tpu.memory_space<hbm>> -> memref<1x8192xf32, #tpu.memory_space<hbm>>
    %dma_start3A_123 = tpu.memref_squeeze %dma_start3A_122 : memref<1x8192xf32, #tpu.memory_space<hbm>> -> memref<8192xf32, #tpu.memory_space<hbm>>
    tpu.enqueue_dma source(%arg11 : memref<8192xf32, #tpu.memory_space<vmem>>) target(%dma_start3A_123 : memref<8192xf32, #tpu.memory_space<hbm>>) target_semaphore(%arg18 : memref<!tpu.dma_semaphore, #tpu.memory_space<semaphore_mem>>)
    %dma_wait3A_124 = arith.constant 16384 : i32
    %dma_wait3A_125 = tpu.memref_slice %arg5[%add3A_67, %dma_wait3A_124] : memref<128x24576xf32, #tpu.memory_space<hbm>> -> memref<1x8192xf32, #tpu.memory_space<hbm>>
    %dma_wait3A_126 = tpu.memref_squeeze %dma_wait3A_125 : memref<1x8192xf32, #tpu.memory_space<hbm>> -> memref<8192xf32, #tpu.memory_space<hbm>>
    %dma_wait3A_127 = arith.constant 16384 : i32
    %dma_wait3A_128 = tpu.memref_slice %arg5[%add3A_67, %dma_wait3A_127] : memref<128x24576xf32, #tpu.memory_space<hbm>> -> memref<1x8192xf32, #tpu.memory_space<hbm>>
    %dma_wait3A_129 = tpu.memref_squeeze %dma_wait3A_128 : memref<1x8192xf32, #tpu.memory_space<hbm>> -> memref<8192xf32, #tpu.memory_space<hbm>>
    tpu.wait_dma2 semaphore(%arg16 : memref<!tpu.dma_semaphore, #tpu.memory_space<semaphore_mem>>) src(%arg9 : memref<8192xf32, #tpu.memory_space<vmem>>) dst(%dma_wait3A_129 : memref<8192xf32, #tpu.memory_space<hbm>>)
    %parallel_loop3A_130 = arith.constant 0 : i32
    %parallel_loop3A_131 = arith.constant 8192 : i32
    %parallel_loop3A_132 = arith.constant 16 : i32
    scf.for %parallel_loop3A_334 = %parallel_loop3A_130 to %parallel_loop3A_131 step %parallel_loop3A_132  : i32 {
      %parallel_loop3A_335 = arith.constant 16384 : i32
      %parallel_loop3A_336 = arith.addi %parallel_loop3A_335, %parallel_loop3A_334 : i32
      %parallel_loop3A_337 = arith.index_cast %parallel_loop3A_336 : i32 to index
      %parallel_loop3A_338 = tpu.vector_load %arg6[%parallel_loop3A_337] {strides = array<i32>} : memref<32768xi32, #tpu.memory_space<vmem>>, vector<16xi32>,
      %parallel_loop3A_339 = tpu.vector_load_idx %arg8[%parallel_loop3A_338] : memref<32768xf32, #tpu.memory_space<vmem>>[vector<16xi32>], vector<16xf32>,
      %parallel_loop3A_340 = arith.index_cast %parallel_loop3A_334 : i32 to index
      %parallel_loop3A_341 = tpu.vector_load %arg9[%parallel_loop3A_340] {strides = array<i32>} : memref<8192xf32, #tpu.memory_space<vmem>>, vector<16xf32>,
      tpu.vector_store %arg9[%parallel_loop3A_340], %parallel_loop3A_339 {strides = array<i32>} : memref<8192xf32, #tpu.memory_space<vmem>>, vector<16xf32>,
    } {sc.loop_unroll_factor = 8 : i64, sc.parallel_access}
    %add3A_133 = arith.constant 1 : i32
    %add3A_134 = arith.addi %mul3A_2, %add3A_133 : i32
    %dma_start3A_135 = arith.constant 8192 : i32
    %dma_start3A_136 = tpu.memref_slice %arg5[%add3A_134, %dma_start3A_135] : memref<128x24576xf32, #tpu.memory_space<hbm>> -> memref<1x8192xf32, #tpu.memory_space<hbm>>
    %dma_start3A_137 = tpu.memref_squeeze %dma_start3A_136 : memref<1x8192xf32, #tpu.memory_space<hbm>> -> memref<8192xf32, #tpu.memory_space<hbm>>
    %dma_start3A_138 = arith.constant 8192 : i32
    %dma_start3A_139 = tpu.memref_slice %arg5[%add3A_134, %dma_start3A_138] : memref<128x24576xf32, #tpu.memory_space<hbm>> -> memref<1x8192xf32, #tpu.memory_space<hbm>>
    %dma_start3A_140 = tpu.memref_squeeze %dma_start3A_139 : memref<1x8192xf32, #tpu.memory_space<hbm>> -> memref<8192xf32, #tpu.memory_space<hbm>>
    tpu.enqueue_dma source(%arg9 : memref<8192xf32, #tpu.memory_space<vmem>>) target(%dma_start3A_140 : memref<8192xf32, #tpu.memory_space<hbm>>) target_semaphore(%arg16 : memref<!tpu.dma_semaphore, #tpu.memory_space<semaphore_mem>>)
    %dma_wait3A_141 = arith.constant 0 : i32
    %dma_wait3A_142 = tpu.memref_slice %arg4[%add3A_100, %dma_wait3A_141] : memref<128x8192xf32, #tpu.memory_space<hbm>> -> memref<1x8192xf32, #tpu.memory_space<hbm>>
    %dma_wait3A_143 = tpu.memref_squeeze %dma_wait3A_142 : memref<1x8192xf32, #tpu.memory_space<hbm>> -> memref<8192xf32, #tpu.memory_space<hbm>>
    %dma_wait3A_144 = arith.constant 0 : i32
    %dma_wait3A_145 = tpu.memref_slice %arg4[%add3A_100, %dma_wait3A_144] : memref<128x8192xf32, #tpu.memory_space<hbm>> -> memref<1x8192xf32, #tpu.memory_space<hbm>>
    %dma_wait3A_146 = tpu.memref_squeeze %dma_wait3A_145 : memref<1x8192xf32, #tpu.memory_space<hbm>> -> memref<8192xf32, #tpu.memory_space<hbm>>
    tpu.wait_dma2 semaphore(%arg17 : memref<!tpu.dma_semaphore, #tpu.memory_space<semaphore_mem>>) src(%arg10 : memref<8192xf32, #tpu.memory_space<vmem>>) dst(%dma_wait3A_146 : memref<8192xf32, #tpu.memory_space<hbm>>)
    %parallel_loop3A_147 = arith.constant 0 : i32
    %parallel_loop3A_148 = arith.constant 8192 : i32
    %parallel_loop3A_149 = arith.constant 16 : i32
    scf.for %parallel_loop3A_334 = %parallel_loop3A_147 to %parallel_loop3A_148 step %parallel_loop3A_149  : i32 {
      %parallel_loop3A_335 = arith.constant 24576 : i32
      %parallel_loop3A_336 = arith.addi %parallel_loop3A_335, %parallel_loop3A_334 : i32
      %parallel_loop3A_337 = arith.index_cast %parallel_loop3A_336 : i32 to index
      %parallel_loop3A_338 = tpu.vector_load %arg6[%parallel_loop3A_337] {strides = array<i32>} : memref<32768xi32, #tpu.memory_space<vmem>>, vector<16xi32>,
      %parallel_loop3A_339 = tpu.vector_load_idx %arg8[%parallel_loop3A_338] : memref<32768xf32, #tpu.memory_space<vmem>>[vector<16xi32>], vector<16xf32>,
      %parallel_loop3A_340 = arith.index_cast %parallel_loop3A_334 : i32 to index
      %parallel_loop3A_341 = tpu.vector_load %arg10[%parallel_loop3A_340] {strides = array<i32>} : memref<8192xf32, #tpu.memory_space<vmem>>, vector<16xf32>,
      tpu.vector_store %arg10[%parallel_loop3A_340], %parallel_loop3A_339 {strides = array<i32>} : memref<8192xf32, #tpu.memory_space<vmem>>, vector<16xf32>,
    } {sc.loop_unroll_factor = 8 : i64, sc.parallel_access}
    %add3A_150 = arith.constant 1 : i32
    %add3A_151 = arith.addi %mul3A_2, %add3A_150 : i32
    %dma_start3A_152 = arith.constant 16384 : i32
    %dma_start3A_153 = tpu.memref_slice %arg5[%add3A_151, %dma_start3A_152] : memref<128x24576xf32, #tpu.memory_space<hbm>> -> memref<1x8192xf32, #tpu.memory_space<hbm>>
    %dma_start3A_154 = tpu.memref_squeeze %dma_start3A_153 : memref<1x8192xf32, #tpu.memory_space<hbm>> -> memref<8192xf32, #tpu.memory_space<hbm>>
    %dma_start3A_155 = arith.constant 16384 : i32
    %dma_start3A_156 = tpu.memref_slice %arg5[%add3A_151, %dma_start3A_155] : memref<128x24576xf32, #tpu.memory_space<hbm>> -> memref<1x8192xf32, #tpu.memory_space<hbm>>
    %dma_start3A_157 = tpu.memref_squeeze %dma_start3A_156 : memref<1x8192xf32, #tpu.memory_space<hbm>> -> memref<8192xf32, #tpu.memory_space<hbm>>
    tpu.enqueue_dma source(%arg10 : memref<8192xf32, #tpu.memory_space<vmem>>) target(%dma_start3A_157 : memref<8192xf32, #tpu.memory_space<hbm>>) target_semaphore(%arg17 : memref<!tpu.dma_semaphore, #tpu.memory_space<semaphore_mem>>)
    %dma_wait3A_158 = arith.constant 0 : i32
    %dma_wait3A_159 = tpu.memref_slice %arg2[%add3A_83, %dma_wait3A_158] : memref<128x32768xf32, #tpu.memory_space<hbm>> -> memref<1x32768xf32, #tpu.memory_space<hbm>>
    %dma_wait3A_160 = tpu.memref_squeeze %dma_wait3A_159 : memref<1x32768xf32, #tpu.memory_space<hbm>> -> memref<32768xf32, #tpu.memory_space<hbm>>
    %dma_wait3A_161 = arith.constant 0 : i32
    %dma_wait3A_162 = tpu.memref_slice %arg2[%add3A_83, %dma_wait3A_161] : memref<128x32768xf32, #tpu.memory_space<hbm>> -> memref<1x32768xf32, #tpu.memory_space<hbm>>
    %dma_wait3A_163 = tpu.memref_squeeze %dma_wait3A_162 : memref<1x32768xf32, #tpu.memory_space<hbm>> -> memref<32768xf32, #tpu.memory_space<hbm>>
    tpu.wait_dma2 semaphore(%arg14 : memref<!tpu.dma_semaphore, #tpu.memory_space<semaphore_mem>>) src(%dma_wait3A_163 : memref<32768xf32, #tpu.memory_space<hbm>>) dst(%arg7 : memref<32768xf32, #tpu.memory_space<vmem>>)
    %add3A_164 = arith.constant 2 : i32
    %add3A_165 = arith.addi %mul3A_2, %add3A_164 : i32
    %add3A_166 = arith.constant 1 : i32
    %add3A_167 = arith.addi %add3A_165, %add3A_166 : i32
    %dma_start3A_168 = arith.constant 0 : i32
    %dma_start3A_169 = tpu.memref_slice %arg2[%add3A_167, %dma_start3A_168] : memref<128x32768xf32, #tpu.memory_space<hbm>> -> memref<1x32768xf32, #tpu.memory_space<hbm>>
    %dma_start3A_170 = tpu.memref_squeeze %dma_start3A_169 : memref<1x32768xf32, #tpu.memory_space<hbm>> -> memref<32768xf32, #tpu.memory_space<hbm>>
    %dma_start3A_171 = arith.constant 0 : i32
    %dma_start3A_172 = tpu.memref_slice %arg2[%add3A_167, %dma_start3A_171] : memref<128x32768xf32, #tpu.memory_space<hbm>> -> memref<1x32768xf32, #tpu.memory_space<hbm>>
    %dma_start3A_173 = tpu.memref_squeeze %dma_start3A_172 : memref<1x32768xf32, #tpu.memory_space<hbm>> -> memref<32768xf32, #tpu.memory_space<hbm>>
    tpu.enqueue_dma source(%dma_start3A_173 : memref<32768xf32, #tpu.memory_space<hbm>>) target(%arg8 : memref<32768xf32, #tpu.memory_space<vmem>>) target_semaphore(%arg15 : memref<!tpu.dma_semaphore, #tpu.memory_space<semaphore_mem>>)
    %dma_wait3A_174 = arith.constant 0 : i32
    %dma_wait3A_175 = tpu.memref_slice %arg5[%add3A_117, %dma_wait3A_174] : memref<128x24576xf32, #tpu.memory_space<hbm>> -> memref<1x8192xf32, #tpu.memory_space<hbm>>
    %dma_wait3A_176 = tpu.memref_squeeze %dma_wait3A_175 : memref<1x8192xf32, #tpu.memory_space<hbm>> -> memref<8192xf32, #tpu.memory_space<hbm>>
    %dma_wait3A_177 = arith.constant 0 : i32
    %dma_wait3A_178 = tpu.memref_slice %arg5[%add3A_117, %dma_wait3A_177] : memref<128x24576xf32, #tpu.memory_space<hbm>> -> memref<1x8192xf32, #tpu.memory_space<hbm>>
    %dma_wait3A_179 = tpu.memref_squeeze %dma_wait3A_178 : memref<1x8192xf32, #tpu.memory_space<hbm>> -> memref<8192xf32, #tpu.memory_space<hbm>>
    tpu.wait_dma2 semaphore(%arg18 : memref<!tpu.dma_semaphore, #tpu.memory_space<semaphore_mem>>) src(%arg11 : memref<8192xf32, #tpu.memory_space<vmem>>) dst(%dma_wait3A_179 : memref<8192xf32, #tpu.memory_space<hbm>>)
    %parallel_loop3A_180 = arith.constant 0 : i32
    %parallel_loop3A_181 = arith.constant 8192 : i32
    %parallel_loop3A_182 = arith.constant 16 : i32
    scf.for %parallel_loop3A_334 = %parallel_loop3A_180 to %parallel_loop3A_181 step %parallel_loop3A_182  : i32 {
      %parallel_loop3A_335 = arith.constant 0 : i32
      %parallel_loop3A_336 = arith.addi %parallel_loop3A_335, %parallel_loop3A_334 : i32
      %parallel_loop3A_337 = arith.index_cast %parallel_loop3A_336 : i32 to index
      %parallel_loop3A_338 = tpu.vector_load %arg6[%parallel_loop3A_337] {strides = array<i32>} : memref<32768xi32, #tpu.memory_space<vmem>>, vector<16xi32>,
      %parallel_loop3A_339 = tpu.vector_load_idx %arg7[%parallel_loop3A_338] : memref<32768xf32, #tpu.memory_space<vmem>>[vector<16xi32>], vector<16xf32>,
      %parallel_loop3A_340 = arith.index_cast %parallel_loop3A_334 : i32 to index
      %parallel_loop3A_341 = tpu.vector_load %arg11[%parallel_loop3A_340] {strides = array<i32>} : memref<8192xf32, #tpu.memory_space<vmem>>, vector<16xf32>,
      tpu.vector_store %arg11[%parallel_loop3A_340], %parallel_loop3A_339 {strides = array<i32>} : memref<8192xf32, #tpu.memory_space<vmem>>, vector<16xf32>,
    } {sc.loop_unroll_factor = 8 : i64, sc.parallel_access}
    %add3A_183 = arith.constant 2 : i32
    %add3A_184 = arith.addi %mul3A_2, %add3A_183 : i32
    %dma_start3A_185 = arith.constant 0 : i32
    %dma_start3A_186 = tpu.memref_slice %arg4[%add3A_184, %dma_start3A_185] : memref<128x8192xf32, #tpu.memory_space<hbm>> -> memref<1x8192xf32, #tpu.memory_space<hbm>>
    %dma_start3A_187 = tpu.memref_squeeze %dma_start3A_186 : memref<1x8192xf32, #tpu.memory_space<hbm>> -> memref<8192xf32, #tpu.memory_space<hbm>>
    %dma_start3A_188 = arith.constant 0 : i32
    %dma_start3A_189 = tpu.memref_slice %arg4[%add3A_184, %dma_start3A_188] : memref<128x8192xf32, #tpu.memory_space<hbm>> -> memref<1x8192xf32, #tpu.memory_space<hbm>>
    %dma_start3A_190 = tpu.memref_squeeze %dma_start3A_189 : memref<1x8192xf32, #tpu.memory_space<hbm>> -> memref<8192xf32, #tpu.memory_space<hbm>>
    tpu.enqueue_dma source(%arg11 : memref<8192xf32, #tpu.memory_space<vmem>>) target(%dma_start3A_190 : memref<8192xf32, #tpu.memory_space<hbm>>) target_semaphore(%arg18 : memref<!tpu.dma_semaphore, #tpu.memory_space<semaphore_mem>>)
    %dma_wait3A_191 = arith.constant 8192 : i32
    %dma_wait3A_192 = tpu.memref_slice %arg5[%add3A_134, %dma_wait3A_191] : memref<128x24576xf32, #tpu.memory_space<hbm>> -> memref<1x8192xf32, #tpu.memory_space<hbm>>
    %dma_wait3A_193 = tpu.memref_squeeze %dma_wait3A_192 : memref<1x8192xf32, #tpu.memory_space<hbm>> -> memref<8192xf32, #tpu.memory_space<hbm>>
    %dma_wait3A_194 = arith.constant 8192 : i32
    %dma_wait3A_195 = tpu.memref_slice %arg5[%add3A_134, %dma_wait3A_194] : memref<128x24576xf32, #tpu.memory_space<hbm>> -> memref<1x8192xf32, #tpu.memory_space<hbm>>
    %dma_wait3A_196 = tpu.memref_squeeze %dma_wait3A_195 : memref<1x8192xf32, #tpu.memory_space<hbm>> -> memref<8192xf32, #tpu.memory_space<hbm>>
    tpu.wait_dma2 semaphore(%arg16 : memref<!tpu.dma_semaphore, #tpu.memory_space<semaphore_mem>>) src(%arg9 : memref<8192xf32, #tpu.memory_space<vmem>>) dst(%dma_wait3A_196 : memref<8192xf32, #tpu.memory_space<hbm>>)
    %parallel_loop3A_197 = arith.constant 0 : i32
    %parallel_loop3A_198 = arith.constant 8192 : i32
    %parallel_loop3A_199 = arith.constant 16 : i32
    scf.for %parallel_loop3A_334 = %parallel_loop3A_197 to %parallel_loop3A_198 step %parallel_loop3A_199  : i32 {
      %parallel_loop3A_335 = arith.constant 8192 : i32
      %parallel_loop3A_336 = arith.addi %parallel_loop3A_335, %parallel_loop3A_334 : i32
      %parallel_loop3A_337 = arith.index_cast %parallel_loop3A_336 : i32 to index
      %parallel_loop3A_338 = tpu.vector_load %arg6[%parallel_loop3A_337] {strides = array<i32>} : memref<32768xi32, #tpu.memory_space<vmem>>, vector<16xi32>,
      %parallel_loop3A_339 = tpu.vector_load_idx %arg7[%parallel_loop3A_338] : memref<32768xf32, #tpu.memory_space<vmem>>[vector<16xi32>], vector<16xf32>,
      %parallel_loop3A_340 = arith.index_cast %parallel_loop3A_334 : i32 to index
      %parallel_loop3A_341 = tpu.vector_load %arg9[%parallel_loop3A_340] {strides = array<i32>} : memref<8192xf32, #tpu.memory_space<vmem>>, vector<16xf32>,
      tpu.vector_store %arg9[%parallel_loop3A_340], %parallel_loop3A_339 {strides = array<i32>} : memref<8192xf32, #tpu.memory_space<vmem>>, vector<16xf32>,
    } {sc.loop_unroll_factor = 8 : i64, sc.parallel_access}
    %add3A_200 = arith.constant 2 : i32
    %add3A_201 = arith.addi %mul3A_2, %add3A_200 : i32
    %dma_start3A_202 = arith.constant 0 : i32
    %dma_start3A_203 = tpu.memref_slice %arg5[%add3A_201, %dma_start3A_202] : memref<128x24576xf32, #tpu.memory_space<hbm>> -> memref<1x8192xf32, #tpu.memory_space<hbm>>
    %dma_start3A_204 = tpu.memref_squeeze %dma_start3A_203 : memref<1x8192xf32, #tpu.memory_space<hbm>> -> memref<8192xf32, #tpu.memory_space<hbm>>
    %dma_start3A_205 = arith.constant 0 : i32
    %dma_start3A_206 = tpu.memref_slice %arg5[%add3A_201, %dma_start3A_205] : memref<128x24576xf32, #tpu.memory_space<hbm>> -> memref<1x8192xf32, #tpu.memory_space<hbm>>
    %dma_start3A_207 = tpu.memref_squeeze %dma_start3A_206 : memref<1x8192xf32, #tpu.memory_space<hbm>> -> memref<8192xf32, #tpu.memory_space<hbm>>
    tpu.enqueue_dma source(%arg9 : memref<8192xf32, #tpu.memory_space<vmem>>) target(%dma_start3A_207 : memref<8192xf32, #tpu.memory_space<hbm>>) target_semaphore(%arg16 : memref<!tpu.dma_semaphore, #tpu.memory_space<semaphore_mem>>)
    %dma_wait3A_208 = arith.constant 16384 : i32
    %dma_wait3A_209 = tpu.memref_slice %arg5[%add3A_151, %dma_wait3A_208] : memref<128x24576xf32, #tpu.memory_space<hbm>> -> memref<1x8192xf32, #tpu.memory_space<hbm>>
    %dma_wait3A_210 = tpu.memref_squeeze %dma_wait3A_209 : memref<1x8192xf32, #tpu.memory_space<hbm>> -> memref<8192xf32, #tpu.memory_space<hbm>>
    %dma_wait3A_211 = arith.constant 16384 : i32
    %dma_wait3A_212 = tpu.memref_slice %arg5[%add3A_151, %dma_wait3A_211] : memref<128x24576xf32, #tpu.memory_space<hbm>> -> memref<1x8192xf32, #tpu.memory_space<hbm>>
    %dma_wait3A_213 = tpu.memref_squeeze %dma_wait3A_212 : memref<1x8192xf32, #tpu.memory_space<hbm>> -> memref<8192xf32, #tpu.memory_space<hbm>>
    tpu.wait_dma2 semaphore(%arg17 : memref<!tpu.dma_semaphore, #tpu.memory_space<semaphore_mem>>) src(%arg10 : memref<8192xf32, #tpu.memory_space<vmem>>) dst(%dma_wait3A_213 : memref<8192xf32, #tpu.memory_space<hbm>>)
    %parallel_loop3A_214 = arith.constant 0 : i32
    %parallel_loop3A_215 = arith.constant 8192 : i32
    %parallel_loop3A_216 = arith.constant 16 : i32
    scf.for %parallel_loop3A_334 = %parallel_loop3A_214 to %parallel_loop3A_215 step %parallel_loop3A_216  : i32 {
      %parallel_loop3A_335 = arith.constant 16384 : i32
      %parallel_loop3A_336 = arith.addi %parallel_loop3A_335, %parallel_loop3A_334 : i32
      %parallel_loop3A_337 = arith.index_cast %parallel_loop3A_336 : i32 to index
      %parallel_loop3A_338 = tpu.vector_load %arg6[%parallel_loop3A_337] {strides = array<i32>} : memref<32768xi32, #tpu.memory_space<vmem>>, vector<16xi32>,
      %parallel_loop3A_339 = tpu.vector_load_idx %arg7[%parallel_loop3A_338] : memref<32768xf32, #tpu.memory_space<vmem>>[vector<16xi32>], vector<16xf32>,
      %parallel_loop3A_340 = arith.index_cast %parallel_loop3A_334 : i32 to index
      %parallel_loop3A_341 = tpu.vector_load %arg10[%parallel_loop3A_340] {strides = array<i32>} : memref<8192xf32, #tpu.memory_space<vmem>>, vector<16xf32>,
      tpu.vector_store %arg10[%parallel_loop3A_340], %parallel_loop3A_339 {strides = array<i32>} : memref<8192xf32, #tpu.memory_space<vmem>>, vector<16xf32>,
    } {sc.loop_unroll_factor = 8 : i64, sc.parallel_access}
    %add3A_217 = arith.constant 2 : i32
    %add3A_218 = arith.addi %mul3A_2, %add3A_217 : i32
    %dma_start3A_219 = arith.constant 8192 : i32
    %dma_start3A_220 = tpu.memref_slice %arg5[%add3A_218, %dma_start3A_219] : memref<128x24576xf32, #tpu.memory_space<hbm>> -> memref<1x8192xf32, #tpu.memory_space<hbm>>
    %dma_start3A_221 = tpu.memref_squeeze %dma_start3A_220 : memref<1x8192xf32, #tpu.memory_space<hbm>> -> memref<8192xf32, #tpu.memory_space<hbm>>
    %dma_start3A_222 = arith.constant 8192 : i32
    %dma_start3A_223 = tpu.memref_slice %arg5[%add3A_218, %dma_start3A_222] : memref<128x24576xf32, #tpu.memory_space<hbm>> -> memref<1x8192xf32, #tpu.memory_space<hbm>>
    %dma_start3A_224 = tpu.memref_squeeze %dma_start3A_223 : memref<1x8192xf32, #tpu.memory_space<hbm>> -> memref<8192xf32, #tpu.memory_space<hbm>>
    tpu.enqueue_dma source(%arg10 : memref<8192xf32, #tpu.memory_space<vmem>>) target(%dma_start3A_224 : memref<8192xf32, #tpu.memory_space<hbm>>) target_semaphore(%arg17 : memref<!tpu.dma_semaphore, #tpu.memory_space<semaphore_mem>>)
    %dma_wait3A_225 = arith.constant 0 : i32
    %dma_wait3A_226 = tpu.memref_slice %arg4[%add3A_184, %dma_wait3A_225] : memref<128x8192xf32, #tpu.memory_space<hbm>> -> memref<1x8192xf32, #tpu.memory_space<hbm>>
    %dma_wait3A_227 = tpu.memref_squeeze %dma_wait3A_226 : memref<1x8192xf32, #tpu.memory_space<hbm>> -> memref<8192xf32, #tpu.memory_space<hbm>>
    %dma_wait3A_228 = arith.constant 0 : i32
    %dma_wait3A_229 = tpu.memref_slice %arg4[%add3A_184, %dma_wait3A_228] : memref<128x8192xf32, #tpu.memory_space<hbm>> -> memref<1x8192xf32, #tpu.memory_space<hbm>>
    %dma_wait3A_230 = tpu.memref_squeeze %dma_wait3A_229 : memref<1x8192xf32, #tpu.memory_space<hbm>> -> memref<8192xf32, #tpu.memory_space<hbm>>
    tpu.wait_dma2 semaphore(%arg18 : memref<!tpu.dma_semaphore, #tpu.memory_space<semaphore_mem>>) src(%arg11 : memref<8192xf32, #tpu.memory_space<vmem>>) dst(%dma_wait3A_230 : memref<8192xf32, #tpu.memory_space<hbm>>)
    %parallel_loop3A_231 = arith.constant 0 : i32
    %parallel_loop3A_232 = arith.constant 8192 : i32
    %parallel_loop3A_233 = arith.constant 16 : i32
    scf.for %parallel_loop3A_334 = %parallel_loop3A_231 to %parallel_loop3A_232 step %parallel_loop3A_233  : i32 {
      %parallel_loop3A_335 = arith.constant 24576 : i32
      %parallel_loop3A_336 = arith.addi %parallel_loop3A_335, %parallel_loop3A_334 : i32
      %parallel_loop3A_337 = arith.index_cast %parallel_loop3A_336 : i32 to index
      %parallel_loop3A_338 = tpu.vector_load %arg6[%parallel_loop3A_337] {strides = array<i32>} : memref<32768xi32, #tpu.memory_space<vmem>>, vector<16xi32>,
      %parallel_loop3A_339 = tpu.vector_load_idx %arg7[%parallel_loop3A_338] : memref<32768xf32, #tpu.memory_space<vmem>>[vector<16xi32>], vector<16xf32>,
      %parallel_loop3A_340 = arith.index_cast %parallel_loop3A_334 : i32 to index
      %parallel_loop3A_341 = tpu.vector_load %arg11[%parallel_loop3A_340] {strides = array<i32>} : memref<8192xf32, #tpu.memory_space<vmem>>, vector<16xf32>,
      tpu.vector_store %arg11[%parallel_loop3A_340], %parallel_loop3A_339 {strides = array<i32>} : memref<8192xf32, #tpu.memory_space<vmem>>, vector<16xf32>,
    } {sc.loop_unroll_factor = 8 : i64, sc.parallel_access}
    %add3A_234 = arith.constant 2 : i32
    %add3A_235 = arith.addi %mul3A_2, %add3A_234 : i32
    %dma_start3A_236 = arith.constant 16384 : i32
    %dma_start3A_237 = tpu.memref_slice %arg5[%add3A_235, %dma_start3A_236] : memref<128x24576xf32, #tpu.memory_space<hbm>> -> memref<1x8192xf32, #tpu.memory_space<hbm>>
    %dma_start3A_238 = tpu.memref_squeeze %dma_start3A_237 : memref<1x8192xf32, #tpu.memory_space<hbm>> -> memref<8192xf32, #tpu.memory_space<hbm>>
    %dma_start3A_239 = arith.constant 16384 : i32
    %dma_start3A_240 = tpu.memref_slice %arg5[%add3A_235, %dma_start3A_239] : memref<128x24576xf32, #tpu.memory_space<hbm>> -> memref<1x8192xf32, #tpu.memory_space<hbm>>
    %dma_start3A_241 = tpu.memref_squeeze %dma_start3A_240 : memref<1x8192xf32, #tpu.memory_space<hbm>> -> memref<8192xf32, #tpu.memory_space<hbm>>
    tpu.enqueue_dma source(%arg11 : memref<8192xf32, #tpu.memory_space<vmem>>) target(%dma_start3A_241 : memref<8192xf32, #tpu.memory_space<hbm>>) target_semaphore(%arg18 : memref<!tpu.dma_semaphore, #tpu.memory_space<semaphore_mem>>)
    %dma_wait3A_242 = arith.constant 0 : i32
    %dma_wait3A_243 = tpu.memref_slice %arg2[%add3A_167, %dma_wait3A_242] : memref<128x32768xf32, #tpu.memory_space<hbm>> -> memref<1x32768xf32, #tpu.memory_space<hbm>>
    %dma_wait3A_244 = tpu.memref_squeeze %dma_wait3A_243 : memref<1x32768xf32, #tpu.memory_space<hbm>> -> memref<32768xf32, #tpu.memory_space<hbm>>
    %dma_wait3A_245 = arith.constant 0 : i32
    %dma_wait3A_246 = tpu.memref_slice %arg2[%add3A_167, %dma_wait3A_245] : memref<128x32768xf32, #tpu.memory_space<hbm>> -> memref<1x32768xf32, #tpu.memory_space<hbm>>
    %dma_wait3A_247 = tpu.memref_squeeze %dma_wait3A_246 : memref<1x32768xf32, #tpu.memory_space<hbm>> -> memref<32768xf32, #tpu.memory_space<hbm>>
    tpu.wait_dma2 semaphore(%arg15 : memref<!tpu.dma_semaphore, #tpu.memory_space<semaphore_mem>>) src(%dma_wait3A_247 : memref<32768xf32, #tpu.memory_space<hbm>>) dst(%arg8 : memref<32768xf32, #tpu.memory_space<vmem>>)
    %dma_wait3A_248 = arith.constant 0 : i32
    %dma_wait3A_249 = tpu.memref_slice %arg5[%add3A_201, %dma_wait3A_248] : memref<128x24576xf32, #tpu.memory_space<hbm>> -> memref<1x8192xf32, #tpu.memory_space<hbm>>
    %dma_wait3A_250 = tpu.memref_squeeze %dma_wait3A_249 : memref<1x8192xf32, #tpu.memory_space<hbm>> -> memref<8192xf32, #tpu.memory_space<hbm>>
    %dma_wait3A_251 = arith.constant 0 : i32
    %dma_wait3A_252 = tpu.memref_slice %arg5[%add3A_201, %dma_wait3A_251] : memref<128x24576xf32, #tpu.memory_space<hbm>> -> memref<1x8192xf32, #tpu.memory_space<hbm>>
    %dma_wait3A_253 = tpu.memref_squeeze %dma_wait3A_252 : memref<1x8192xf32, #tpu.memory_space<hbm>> -> memref<8192xf32, #tpu.memory_space<hbm>>
    tpu.wait_dma2 semaphore(%arg16 : memref<!tpu.dma_semaphore, #tpu.memory_space<semaphore_mem>>) src(%arg9 : memref<8192xf32, #tpu.memory_space<vmem>>) dst(%dma_wait3A_253 : memref<8192xf32, #tpu.memory_space<hbm>>)
    %parallel_loop3A_254 = arith.constant 0 : i32
    %parallel_loop3A_255 = arith.constant 8192 : i32
    %parallel_loop3A_256 = arith.constant 16 : i32
    scf.for %parallel_loop3A_334 = %parallel_loop3A_254 to %parallel_loop3A_255 step %parallel_loop3A_256  : i32 {
      %parallel_loop3A_335 = arith.constant 0 : i32
      %parallel_loop3A_336 = arith.addi %parallel_loop3A_335, %parallel_loop3A_334 : i32
      %parallel_loop3A_337 = arith.index_cast %parallel_loop3A_336 : i32 to index
      %parallel_loop3A_338 = tpu.vector_load %arg6[%parallel_loop3A_337] {strides = array<i32>} : memref<32768xi32, #tpu.memory_space<vmem>>, vector<16xi32>,
      %parallel_loop3A_339 = tpu.vector_load_idx %arg8[%parallel_loop3A_338] : memref<32768xf32, #tpu.memory_space<vmem>>[vector<16xi32>], vector<16xf32>,
      %parallel_loop3A_340 = arith.index_cast %parallel_loop3A_334 : i32 to index
      %parallel_loop3A_341 = tpu.vector_load %arg9[%parallel_loop3A_340] {strides = array<i32>} : memref<8192xf32, #tpu.memory_space<vmem>>, vector<16xf32>,
      tpu.vector_store %arg9[%parallel_loop3A_340], %parallel_loop3A_339 {strides = array<i32>} : memref<8192xf32, #tpu.memory_space<vmem>>, vector<16xf32>,
    } {sc.loop_unroll_factor = 8 : i64, sc.parallel_access}
    %add3A_257 = arith.constant 3 : i32
    %add3A_258 = arith.addi %mul3A_2, %add3A_257 : i32
    %dma_start3A_259 = arith.constant 0 : i32
    %dma_start3A_260 = tpu.memref_slice %arg4[%add3A_258, %dma_start3A_259] : memref<128x8192xf32, #tpu.memory_space<hbm>> -> memref<1x8192xf32, #tpu.memory_space<hbm>>
    %dma_start3A_261 = tpu.memref_squeeze %dma_start3A_260 : memref<1x8192xf32, #tpu.memory_space<hbm>> -> memref<8192xf32, #tpu.memory_space<hbm>>
    %dma_start3A_262 = arith.constant 0 : i32
    %dma_start3A_263 = tpu.memref_slice %arg4[%add3A_258, %dma_start3A_262] : memref<128x8192xf32, #tpu.memory_space<hbm>> -> memref<1x8192xf32, #tpu.memory_space<hbm>>
    %dma_start3A_264 = tpu.memref_squeeze %dma_start3A_263 : memref<1x8192xf32, #tpu.memory_space<hbm>> -> memref<8192xf32, #tpu.memory_space<hbm>>
    tpu.enqueue_dma source(%arg9 : memref<8192xf32, #tpu.memory_space<vmem>>) target(%dma_start3A_264 : memref<8192xf32, #tpu.memory_space<hbm>>) target_semaphore(%arg16 : memref<!tpu.dma_semaphore, #tpu.memory_space<semaphore_mem>>)
    %dma_wait3A_265 = arith.constant 8192 : i32
    %dma_wait3A_266 = tpu.memref_slice %arg5[%add3A_218, %dma_wait3A_265] : memref<128x24576xf32, #tpu.memory_space<hbm>> -> memref<1x8192xf32, #tpu.memory_space<hbm>>
    %dma_wait3A_267 = tpu.memref_squeeze %dma_wait3A_266 : memref<1x8192xf32, #tpu.memory_space<hbm>> -> memref<8192xf32, #tpu.memory_space<hbm>>
    %dma_wait3A_268 = arith.constant 8192 : i32
    %dma_wait3A_269 = tpu.memref_slice %arg5[%add3A_218, %dma_wait3A_268] : memref<128x24576xf32, #tpu.memory_space<hbm>> -> memref<1x8192xf32, #tpu.memory_space<hbm>>
    %dma_wait3A_270 = tpu.memref_squeeze %dma_wait3A_269 : memref<1x8192xf32, #tpu.memory_space<hbm>> -> memref<8192xf32, #tpu.memory_space<hbm>>
    tpu.wait_dma2 semaphore(%arg17 : memref<!tpu.dma_semaphore, #tpu.memory_space<semaphore_mem>>) src(%arg10 : memref<8192xf32, #tpu.memory_space<vmem>>) dst(%dma_wait3A_270 : memref<8192xf32, #tpu.memory_space<hbm>>)
    %parallel_loop3A_271 = arith.constant 0 : i32
    %parallel_loop3A_272 = arith.constant 8192 : i32
    %parallel_loop3A_273 = arith.constant 16 : i32
    scf.for %parallel_loop3A_334 = %parallel_loop3A_271 to %parallel_loop3A_272 step %parallel_loop3A_273  : i32 {
      %parallel_loop3A_335 = arith.constant 8192 : i32
      %parallel_loop3A_336 = arith.addi %parallel_loop3A_335, %parallel_loop3A_334 : i32
      %parallel_loop3A_337 = arith.index_cast %parallel_loop3A_336 : i32 to index
      %parallel_loop3A_338 = tpu.vector_load %arg6[%parallel_loop3A_337] {strides = array<i32>} : memref<32768xi32, #tpu.memory_space<vmem>>, vector<16xi32>,
      %parallel_loop3A_339 = tpu.vector_load_idx %arg8[%parallel_loop3A_338] : memref<32768xf32, #tpu.memory_space<vmem>>[vector<16xi32>], vector<16xf32>,
      %parallel_loop3A_340 = arith.index_cast %parallel_loop3A_334 : i32 to index
      %parallel_loop3A_341 = tpu.vector_load %arg10[%parallel_loop3A_340] {strides = array<i32>} : memref<8192xf32, #tpu.memory_space<vmem>>, vector<16xf32>,
      tpu.vector_store %arg10[%parallel_loop3A_340], %parallel_loop3A_339 {strides = array<i32>} : memref<8192xf32, #tpu.memory_space<vmem>>, vector<16xf32>,
    } {sc.loop_unroll_factor = 8 : i64, sc.parallel_access}
    %add3A_274 = arith.constant 3 : i32
    %add3A_275 = arith.addi %mul3A_2, %add3A_274 : i32
    %dma_start3A_276 = arith.constant 0 : i32
    %dma_start3A_277 = tpu.memref_slice %arg5[%add3A_275, %dma_start3A_276] : memref<128x24576xf32, #tpu.memory_space<hbm>> -> memref<1x8192xf32, #tpu.memory_space<hbm>>
    %dma_start3A_278 = tpu.memref_squeeze %dma_start3A_277 : memref<1x8192xf32, #tpu.memory_space<hbm>> -> memref<8192xf32, #tpu.memory_space<hbm>>
    %dma_start3A_279 = arith.constant 0 : i32
    %dma_start3A_280 = tpu.memref_slice %arg5[%add3A_275, %dma_start3A_279] : memref<128x24576xf32, #tpu.memory_space<hbm>> -> memref<1x8192xf32, #tpu.memory_space<hbm>>
    %dma_start3A_281 = tpu.memref_squeeze %dma_start3A_280 : memref<1x8192xf32, #tpu.memory_space<hbm>> -> memref<8192xf32, #tpu.memory_space<hbm>>
    tpu.enqueue_dma source(%arg10 : memref<8192xf32, #tpu.memory_space<vmem>>) target(%dma_start3A_281 : memref<8192xf32, #tpu.memory_space<hbm>>) target_semaphore(%arg17 : memref<!tpu.dma_semaphore, #tpu.memory_space<semaphore_mem>>)
    %dma_wait3A_282 = arith.constant 16384 : i32
    %dma_wait3A_283 = tpu.memref_slice %arg5[%add3A_235, %dma_wait3A_282] : memref<128x24576xf32, #tpu.memory_space<hbm>> -> memref<1x8192xf32, #tpu.memory_space<hbm>>
    %dma_wait3A_284 = tpu.memref_squeeze %dma_wait3A_283 : memref<1x8192xf32, #tpu.memory_space<hbm>> -> memref<8192xf32, #tpu.memory_space<hbm>>
    %dma_wait3A_285 = arith.constant 16384 : i32
    %dma_wait3A_286 = tpu.memref_slice %arg5[%add3A_235, %dma_wait3A_285] : memref<128x24576xf32, #tpu.memory_space<hbm>> -> memref<1x8192xf32, #tpu.memory_space<hbm>>
    %dma_wait3A_287 = tpu.memref_squeeze %dma_wait3A_286 : memref<1x8192xf32, #tpu.memory_space<hbm>> -> memref<8192xf32, #tpu.memory_space<hbm>>
    tpu.wait_dma2 semaphore(%arg18 : memref<!tpu.dma_semaphore, #tpu.memory_space<semaphore_mem>>) src(%arg11 : memref<8192xf32, #tpu.memory_space<vmem>>) dst(%dma_wait3A_287 : memref<8192xf32, #tpu.memory_space<hbm>>)
    %parallel_loop3A_288 = arith.constant 0 : i32
    %parallel_loop3A_289 = arith.constant 8192 : i32
    %parallel_loop3A_290 = arith.constant 16 : i32
    scf.for %parallel_loop3A_334 = %parallel_loop3A_288 to %parallel_loop3A_289 step %parallel_loop3A_290  : i32 {
      %parallel_loop3A_335 = arith.constant 16384 : i32
      %parallel_loop3A_336 = arith.addi %parallel_loop3A_335, %parallel_loop3A_334 : i32
      %parallel_loop3A_337 = arith.index_cast %parallel_loop3A_336 : i32 to index
      %parallel_loop3A_338 = tpu.vector_load %arg6[%parallel_loop3A_337] {strides = array<i32>} : memref<32768xi32, #tpu.memory_space<vmem>>, vector<16xi32>,
      %parallel_loop3A_339 = tpu.vector_load_idx %arg8[%parallel_loop3A_338] : memref<32768xf32, #tpu.memory_space<vmem>>[vector<16xi32>], vector<16xf32>,
      %parallel_loop3A_340 = arith.index_cast %parallel_loop3A_334 : i32 to index
      %parallel_loop3A_341 = tpu.vector_load %arg11[%parallel_loop3A_340] {strides = array<i32>} : memref<8192xf32, #tpu.memory_space<vmem>>, vector<16xf32>,
      tpu.vector_store %arg11[%parallel_loop3A_340], %parallel_loop3A_339 {strides = array<i32>} : memref<8192xf32, #tpu.memory_space<vmem>>, vector<16xf32>,
    } {sc.loop_unroll_factor = 8 : i64, sc.parallel_access}
    %add3A_291 = arith.constant 3 : i32
    %add3A_292 = arith.addi %mul3A_2, %add3A_291 : i32
    %dma_start3A_293 = arith.constant 8192 : i32
    %dma_start3A_294 = tpu.memref_slice %arg5[%add3A_292, %dma_start3A_293] : memref<128x24576xf32, #tpu.memory_space<hbm>> -> memref<1x8192xf32, #tpu.memory_space<hbm>>
    %dma_start3A_295 = tpu.memref_squeeze %dma_start3A_294 : memref<1x8192xf32, #tpu.memory_space<hbm>> -> memref<8192xf32, #tpu.memory_space<hbm>>
    %dma_start3A_296 = arith.constant 8192 : i32
    %dma_start3A_297 = tpu.memref_slice %arg5[%add3A_292, %dma_start3A_296] : memref<128x24576xf32, #tpu.memory_space<hbm>> -> memref<1x8192xf32, #tpu.memory_space<hbm>>
    %dma_start3A_298 = tpu.memref_squeeze %dma_start3A_297 : memref<1x8192xf32, #tpu.memory_space<hbm>> -> memref<8192xf32, #tpu.memory_space<hbm>>
    tpu.enqueue_dma source(%arg11 : memref<8192xf32, #tpu.memory_space<vmem>>) target(%dma_start3A_298 : memref<8192xf32, #tpu.memory_space<hbm>>) target_semaphore(%arg18 : memref<!tpu.dma_semaphore, #tpu.memory_space<semaphore_mem>>)
    %dma_wait3A_299 = arith.constant 0 : i32
    %dma_wait3A_300 = tpu.memref_slice %arg4[%add3A_258, %dma_wait3A_299] : memref<128x8192xf32, #tpu.memory_space<hbm>> -> memref<1x8192xf32, #tpu.memory_space<hbm>>
    %dma_wait3A_301 = tpu.memref_squeeze %dma_wait3A_300 : memref<1x8192xf32, #tpu.memory_space<hbm>> -> memref<8192xf32, #tpu.memory_space<hbm>>
    %dma_wait3A_302 = arith.constant 0 : i32
    %dma_wait3A_303 = tpu.memref_slice %arg4[%add3A_258, %dma_wait3A_302] : memref<128x8192xf32, #tpu.memory_space<hbm>> -> memref<1x8192xf32, #tpu.memory_space<hbm>>
    %dma_wait3A_304 = tpu.memref_squeeze %dma_wait3A_303 : memref<1x8192xf32, #tpu.memory_space<hbm>> -> memref<8192xf32, #tpu.memory_space<hbm>>
    tpu.wait_dma2 semaphore(%arg16 : memref<!tpu.dma_semaphore, #tpu.memory_space<semaphore_mem>>) src(%arg9 : memref<8192xf32, #tpu.memory_space<vmem>>) dst(%dma_wait3A_304 : memref<8192xf32, #tpu.memory_space<hbm>>)
    %parallel_loop3A_305 = arith.constant 0 : i32
    %parallel_loop3A_306 = arith.constant 8192 : i32
    %parallel_loop3A_307 = arith.constant 16 : i32
    scf.for %parallel_loop3A_334 = %parallel_loop3A_305 to %parallel_loop3A_306 step %parallel_loop3A_307  : i32 {
      %parallel_loop3A_335 = arith.constant 24576 : i32
      %parallel_loop3A_336 = arith.addi %parallel_loop3A_335, %parallel_loop3A_334 : i32
      %parallel_loop3A_337 = arith.index_cast %parallel_loop3A_336 : i32 to index
      %parallel_loop3A_338 = tpu.vector_load %arg6[%parallel_loop3A_337] {strides = array<i32>} : memref<32768xi32, #tpu.memory_space<vmem>>, vector<16xi32>,
      %parallel_loop3A_339 = tpu.vector_load_idx %arg8[%parallel_loop3A_338] : memref<32768xf32, #tpu.memory_space<vmem>>[vector<16xi32>], vector<16xf32>,
      %parallel_loop3A_340 = arith.index_cast %parallel_loop3A_334 : i32 to index
      %parallel_loop3A_341 = tpu.vector_load %arg9[%parallel_loop3A_340] {strides = array<i32>} : memref<8192xf32, #tpu.memory_space<vmem>>, vector<16xf32>,
      tpu.vector_store %arg9[%parallel_loop3A_340], %parallel_loop3A_339 {strides = array<i32>} : memref<8192xf32, #tpu.memory_space<vmem>>, vector<16xf32>,
    } {sc.loop_unroll_factor = 8 : i64, sc.parallel_access}
    %add3A_308 = arith.constant 3 : i32
    %add3A_309 = arith.addi %mul3A_2, %add3A_308 : i32
    %dma_start3A_310 = arith.constant 16384 : i32
    %dma_start3A_311 = tpu.memref_slice %arg5[%add3A_309, %dma_start3A_310] : memref<128x24576xf32, #tpu.memory_space<hbm>> -> memref<1x8192xf32, #tpu.memory_space<hbm>>
    %dma_start3A_312 = tpu.memref_squeeze %dma_start3A_311 : memref<1x8192xf32, #tpu.memory_space<hbm>> -> memref<8192xf32, #tpu.memory_space<hbm>>
    %dma_start3A_313 = arith.constant 16384 : i32
    %dma_start3A_314 = tpu.memref_slice %arg5[%add3A_309, %dma_start3A_313] : memref<128x24576xf32, #tpu.memory_space<hbm>> -> memref<1x8192xf32, #tpu.memory_space<hbm>>
    %dma_start3A_315 = tpu.memref_squeeze %dma_start3A_314 : memref<1x8192xf32, #tpu.memory_space<hbm>> -> memref<8192xf32, #tpu.memory_space<hbm>>
    tpu.enqueue_dma source(%arg9 : memref<8192xf32, #tpu.memory_space<vmem>>) target(%dma_start3A_315 : memref<8192xf32, #tpu.memory_space<hbm>>) target_semaphore(%arg16 : memref<!tpu.dma_semaphore, #tpu.memory_space<semaphore_mem>>)
    %dma_wait3A_316 = arith.constant 16384 : i32
    %dma_wait3A_317 = tpu.memref_slice %arg5[%add3A_309, %dma_wait3A_316] : memref<128x24576xf32, #tpu.memory_space<hbm>> -> memref<1x8192xf32, #tpu.memory_space<hbm>>
    %dma_wait3A_318 = tpu.memref_squeeze %dma_wait3A_317 : memref<1x8192xf32, #tpu.memory_space<hbm>> -> memref<8192xf32, #tpu.memory_space<hbm>>
    %dma_wait3A_319 = arith.constant 16384 : i32
    %dma_wait3A_320 = tpu.memref_slice %arg5[%add3A_309, %dma_wait3A_319] : memref<128x24576xf32, #tpu.memory_space<hbm>> -> memref<1x8192xf32, #tpu.memory_space<hbm>>
    %dma_wait3A_321 = tpu.memref_squeeze %dma_wait3A_320 : memref<1x8192xf32, #tpu.memory_space<hbm>> -> memref<8192xf32, #tpu.memory_space<hbm>>
    tpu.wait_dma2 semaphore(%arg16 : memref<!tpu.dma_semaphore, #tpu.memory_space<semaphore_mem>>) src(%arg9 : memref<8192xf32, #tpu.memory_space<vmem>>) dst(%dma_wait3A_321 : memref<8192xf32, #tpu.memory_space<hbm>>)
    %dma_wait3A_322 = arith.constant 0 : i32
    %dma_wait3A_323 = tpu.memref_slice %arg5[%add3A_275, %dma_wait3A_322] : memref<128x24576xf32, #tpu.memory_space<hbm>> -> memref<1x8192xf32, #tpu.memory_space<hbm>>
    %dma_wait3A_324 = tpu.memref_squeeze %dma_wait3A_323 : memref<1x8192xf32, #tpu.memory_space<hbm>> -> memref<8192xf32, #tpu.memory_space<hbm>>
    %dma_wait3A_325 = arith.constant 0 : i32
    %dma_wait3A_326 = tpu.memref_slice %arg5[%add3A_275, %dma_wait3A_325] : memref<128x24576xf32, #tpu.memory_space<hbm>> -> memref<1x8192xf32, #tpu.memory_space<hbm>>
    %dma_wait3A_327 = tpu.memref_squeeze %dma_wait3A_326 : memref<1x8192xf32, #tpu.memory_space<hbm>> -> memref<8192xf32, #tpu.memory_space<hbm>>
    tpu.wait_dma2 semaphore(%arg17 : memref<!tpu.dma_semaphore, #tpu.memory_space<semaphore_mem>>) src(%arg10 : memref<8192xf32, #tpu.memory_space<vmem>>) dst(%dma_wait3A_327 : memref<8192xf32, #tpu.memory_space<hbm>>)
    %dma_wait3A_328 = arith.constant 8192 : i32
    %dma_wait3A_329 = tpu.memref_slice %arg5[%add3A_292, %dma_wait3A_328] : memref<128x24576xf32, #tpu.memory_space<hbm>> -> memref<1x8192xf32, #tpu.memory_space<hbm>>
    %dma_wait3A_330 = tpu.memref_squeeze %dma_wait3A_329 : memref<1x8192xf32, #tpu.memory_space<hbm>> -> memref<8192xf32, #tpu.memory_space<hbm>>
    %dma_wait3A_331 = arith.constant 8192 : i32
    %dma_wait3A_332 = tpu.memref_slice %arg5[%add3A_292, %dma_wait3A_331] : memref<128x24576xf32, #tpu.memory_space<hbm>> -> memref<1x8192xf32, #tpu.memory_space<hbm>>
    %dma_wait3A_333 = tpu.memref_squeeze %dma_wait3A_332 : memref<1x8192xf32, #tpu.memory_space<hbm>> -> memref<8192xf32, #tpu.memory_space<hbm>>
    tpu.wait_dma2 semaphore(%arg18 : memref<!tpu.dma_semaphore, #tpu.memory_space<semaphore_mem>>) src(%arg11 : memref<8192xf32, #tpu.memory_space<vmem>>) dst(%dma_wait3A_333 : memref<8192xf32, #tpu.memory_space<hbm>>)
    return
  }
}

</mosaic_0001>

<sc_bundles>
// kernel: kernel.3.cloned.1.call-start
scs
__scs_entry_jumppad:
0x0: {  	(pc) =	sbr.rel $0x88, $3  }
0x1: {  	(tag) =	ssettag $0x0;
	lr =	simm.s32 $0x1  }
0x2: {  	[smem:$0x3F9F] =	sst lr;
	_ =	strace $0xD0000000  }
0x3: {  	_ = 	snop  }
0x4: {  	_ = 	snop  }
0x5: {  	_ = 	snop  }
0x6: {  	_ = 	snop  }
0x7: {  	_ = 	snop  }
__scs_overlays_trampoline_lowered:
0x8: {  	[smem:$0x3FAE] =	sst s0  }
0x9: {  	[smem:$0x3FAF] =	sst s1  }
0xa: {  	[smem:$0x3FB0] =	sst s2  }
0xb: {  	[smem:$0x3FB1] =	sst s3  }
0xc: {  	[smem:$0x3FB2] =	sst s4  }
0xd: {  	[smem:$0x3FB3] =	sst s5  }
0xe: {  	[smem:$0x3FB4] =	sst s6  }
0xf: {  	[smem:$0x3FB5] =	sst s7  }
0x10: {  	[smem:$0x3FB6] =	sst s8  }
0x11: {  	[smem:$0x3FB7] =	sst s9;
	s0 =	simm.s32 @!p0 $0x0  }
0x12: {  	s1 =	sld [smem:$0x3F9D];
	s0 =	simm.s32 @p0 $0x1  }
0x13: {  	[smem:$0x3FB8] =	sst s0;
	s0 =	simm.s32 @!p1 $0x0  }
0x14: {  	s2 =	sld [smem:$0x3F9C];
	s0 =	simm.s32 @p1 $0x1  }
0x15: {  	[smem:$0x3FB9] =	sst s0;
	s0 =	simm.s32 @!p2 $0x0  }
0x16: {  	s3 =	sld [smem:$0x3FDB];
	s0 =	simm.s32 @p2 $0x1  }
0x17: {  	s4 =	simm.s32 $0x1BF5;
	[smem:$0x3FBB] =	sst s0  }
0x18: {  	s0 =	sld [smem:$0x3F9E];
	_ =	swait.ge [sflag:s4], $0x0  }
0x19: {  	s7 =	sld [smem:$0x3F9F]  }
0x1a: {  	s8 =	sadd.s32 $0xFFFFE003, lr  }
0x1b: {  	s9 =	sadd.s32 $0xFFFFFEF7, lr;
	s5 =	simm.s32 $0xFFFFFFFF;
	p2 =	slt.u32 s8, $0xFFFFF086  }
0x1c: {  	p1 =	slt.u32 s9, $0xF7A;
	s5 =	simm.s32 @!p2 $0x0  }
0x1d: {  	s5 =	simm.s32 @p1 $0x1;
	p0 =	seq.s32 s7, s2  }
0x1e: {  	s7 =	smul.u32 @!p0 $0xF7A, s2;
	p2 =	seq.s32 @!p0 s5, $0x0  }
0x1f: {  	s9 =	smul.u32 $0xF7A, s1;
	s8 =	simm.s32 @!p0 $0x1BF5;
	p2 =	por !p2, p0  }
0x20: {  	[sflag:s8] =	ssyncset.s32 @!p0 $0xFFFFF086;
	s6 =	sadd.s32 @!p0 s3, s7;
	s7 =	simm.s32 @!p0 $0x108  }
0x21: {  	s3 =	sadd.s32 s3, s9;
	s6 =	sadd.s32 @!p0 $0x88, s6;
	s7 =	simm.s32 @p2 $0x1082  }
0x22: {  	[simem:s7], [sflag:s8] =	dma.local @!p0 [hbm:s6], $0xF7A  }
0x23: {  	s9 =	sor.u32 $0xD0000000, s2;
	s6 =	simm.s32 $0x108;
	_ =	swait.ge @!p0 [sflag:s8], $0x0  }
0x24: {  	s3 =	sadd.s32 $0x88, s3;
	s6 =	simm.s32 @!p1 $0x1082;
	[sflag:s4] =	ssyncset.s32 $0xFFFFF086  }
0x25: {  	[simem:s6], [sflag:s4] =	dma.local [hbm:s3], $0xF7A  }
0x26: {  	[smem:$0x3F9F] =	sst s1;
	(tag) =	ssettag s2;
	_ =	strace s9  }
0x27: {  	s1 =	sld [smem:$0x3FAF]  }
0x28: {  	s2 =	sld [smem:$0x3FB0]  }
0x29: {  	s4 =	sld [smem:$0x3FB2]  }
0x2a: {  	p0 =	seq.s32 s5, $0x0;
	s5 =	sld [smem:$0x3FB3]  }
0x2b: {  	s6 =	sld [smem:$0x3FB4]  }
0x2c: {  	s7 =	sld [smem:$0x3FB5]  }
0x2d: {  	s3 =	simm.s32 $0x108;
	s8 =	sld [smem:$0x3FB6]  }
0x2e: {  	s3 =	simm.s32 @!p0 $0x1082;
	s9 =	sld [smem:$0x3FB7]  }
0x2f: {  	lr =	sadd.s32 s0, s3;
	s0 =	sld [smem:$0x3FAE]  }
0x30: {  	s3 =	sld [smem:$0x3FB1]  }
0x31: {  	[smem:$0x3FBA] =	sst s10  }
0x32: {  	s10 =	sld [smem:$0x3FB8];
	_ =	sdelay $0x3  }
0x33: {  	p0 =	seq.s32 s10, $0x1;
	s10 =	sld [smem:$0x3FBA];
	_ =	sdelay $0x3  }
0x34: {  	[smem:$0x3FBA] =	sst s10  }
0x35: {  	s10 =	sld [smem:$0x3FB9];
	_ =	sdelay $0x3  }
0x36: {  	p1 =	seq.s32 s10, $0x1;
	s10 =	sld [smem:$0x3FBA];
	_ =	sdelay $0x3  }
0x37: {  	[smem:$0x3FBA] =	sst s10  }
0x38: {  	s10 =	sld [smem:$0x3FBB]  }
0x39: {  	_ = 	snop;
	(pc) =	sbr.ind lr, $3  }
0x3a: {  	_ = 	snop  }
0x3b: {  	_ = 	snop  }
0x3c: {  	p2 =	seq.s32 s10, $0x1;
	s10 =	sld [smem:$0x3FBA]  }
0x3d: {  	_ =	shalt  }
0x3e: {  	_ =	shalt  }
0x3f: {  	_ =	shalt  }
0x40: {  	_ =	shalt  }
0x41: {  	_ =	shalt  }
0x42: {  	_ =	shalt  }
0x43: {  	_ =	shalt  }
0x44: {  	_ =	shalt  }
0x45: {  	_ =	shalt  }
0x46: {  	_ =	shalt  }
0x47: {  	_ =	shalt  }
0x48: {  	_ =	shalt  }
0x49: {  	_ =	shalt  }
0x4a: {  	_ =	shalt  }
0x4b: {  	_ =	shalt  }
0x4c: {  	_ =	shalt  }
0x4d: {  	_ =	shalt  }
0x4e: {  	_ =	shalt  }
0x4f: {  	_ =	shalt  }
0x50: {  	_ =	shalt  }
0x51: {  	_ =	shalt  }
0x52: {  	_ =	shalt  }
0x53: {  	_ =	shalt  }
0x54: {  	_ =	shalt  }
0x55: {  	_ =	shalt  }
0x56: {  	_ =	shalt  }
0x57: {  	_ =	shalt  }
0x58: {  	_ =	shalt  }
0x59: {  	_ =	shalt  }
0x5a: {  	_ =	shalt  }
0x5b: {  	_ =	shalt  }
0x5c: {  	_ =	shalt  }
0x5d: {  	_ =	shalt  }
0x5e: {  	_ =	shalt  }
0x5f: {  	_ =	shalt  }
0x60: {  	_ =	shalt  }
0x61: {  	_ =	shalt  }
0x62: {  	_ =	shalt  }
0x63: {  	_ =	shalt  }
0x64: {  	_ =	shalt  }
0x65: {  	_ =	shalt  }
0x66: {  	_ =	shalt  }
0x67: {  	_ =	shalt  }
0x68: {  	_ =	shalt  }
0x69: {  	_ =	shalt  }
0x6a: {  	_ =	shalt  }
0x6b: {  	_ =	shalt  }
0x6c: {  	_ =	shalt  }
0x6d: {  	_ =	shalt  }
0x6e: {  	_ =	shalt  }
0x6f: {  	_ =	shalt  }
0x70: {  	_ =	shalt  }
0x71: {  	_ =	shalt  }
0x72: {  	_ =	shalt  }
0x73: {  	_ =	shalt  }
0x74: {  	_ =	shalt  }
0x75: {  	_ =	shalt  }
0x76: {  	_ =	shalt  }
0x77: {  	_ =	shalt  }
0x78: {  	_ =	shalt  }
0x79: {  	_ =	shalt  }
0x7a: {  	_ =	shalt  }
0x7b: {  	_ =	shalt  }
0x7c: {  	_ =	shalt  }
0x7d: {  	_ =	shalt  }
0x7e: {  	_ =	shalt  }
0x7f: {  	_ =	shalt  }
0x80: {  	_ =	shalt  }
0x81: {  	_ =	shalt  }
0x82: {  	_ =	shalt  }
0x83: {  	_ =	shalt  }
0x84: {  	_ =	shalt  }
0x85: {  	_ =	shalt  }
0x86: {  	_ =	shalt  }
0x87: {  	_ =	shalt  }
.Lfunc_end0:
.L_simem_size_0:
called_computation_lowered:
.L_overlay_start_0:
0x88: {  	s2 =	sld [smem:$0x3FD9]  }
0x89: {  	s3 =	sld [smem:$0x3FFE];
	_ =	sdelay $0x1  }
0x8a: {  	s1 =	srdreg.scid  }
0x8b: {  	s0 =	sand.u32 $0x1, s1  }
0x8c: {  	s15 =	sshll.u32 s0, $0xA;
	s2 =	sadd.s32 s3, s2  }
0x8d: {  	s2 =	sadd.s32 s2, s15  }
0x8e: {  	[smem:$0x3FC6] =	sst s2  }
0x8f: {  	_ = 	snop  }
0x90: {  	s2 =	sld [smem:$0x3FD0];
	_ =	sdelay $0x1  }
0x91: {  	s16 =	sld [smem:$0x3FC9]  }
0x92: {  	s5 =	simm.s32 $0xA;
	s6 =	simm.s32 $0x10;
	s4 =	sld [smem:$0x3FC8]  }
0x93: {  	[smem:s6], [sflag:s5] =	dma.local [hbm:s2], $0x1  }
0x94: {  	_ =	swait.eq [sflag:s5], $0x1  }
0x95: {  	[sflag:s5] =	ssyncset.done $0x0  }
0x96: {  	s17 =	sld [smem:$0x10];
	[sflag:s5] =	ssyncadd.s32 $0xFFFFFFFF  }
0x97: {  	s18 =	sld [smem:$0x11];
	(tm) =	ssettm $0x1  }
0x98: {  	s19 =	sld [smem:$0x3FFB];
	_ =	sdelay $0x3  }
0x99: {  	_ =	strace s19  }
0x9a: {  	s6 =	sld [smem:$0x3FFC];
	_ =	sdelay $0x3  }
0x9b: {  	_ =	strace s6  }
0x9c: {  	s6 =	sld [smem:$0x3FFD];
	_ =	sdelay $0x3  }
0x9d: {  	_ =	strace s6  }
0x9e: {  	_ =	strace $0x8FFFFFFF  }
0x9f: {  	s20 =	sld [smem:$0x3FDB];
	_ =	sdelay $0x1  }
0xa0: {  	s7 =	simm.s32 $_scs_section_size  }
0xa1: {  	s8 =	simm.s32 $_size__tile_overlayer_lowered;
	s9 =	simm.s32 $_tile_overlayer_lowered  }
0xa2: {  	s23 =	simm.s32 $0x1BFF;
	s22 =	sshll.u32 s9, $0x1;
	s6 =	sadd.s32 s7, s20  }
0xa3: {  	s10 =	simm.s32 $0x0;
	s21 =	sshll.u32 s8, $0x1;
	s8 =	sadd.s32 s22, s6  }
0xa4: {  	[timem:s10], [sflag:s23] =	dma.local [hbm:s8], s21  }
0xa5: {  	_ =	swait.ge [sflag:s23], s21  }
0xa6: {  	s7 =	ssub.s32 $0x0, s21;
	[sflag:s23] =	ssyncset.done $0x0  }
0xa7: {  	[sflag:s23] =	ssyncadd.s32 s7;
	_ =	sdelay $0x1  }
0xa8: {  	s24 =	simm.s32 $0x1B8B  }
0xa9: {  	_ =	swait.ge [sflag:s24], $0x1  }
0xaa: {  	[sflag:s24] =	ssyncset.done $0x0  }
0xab: {  	s25 =	simm.s32 $0x1B8E;
	[sflag:s24] =	ssyncadd.s32 $0xFFFFFFFF  }
0xac: {  	s26 =	simm.s32 $execute0_lowered;
	[smem:$0x3FD2] =	sst s25  }
0xad: {  	s7 =	sshll.u32 s26, $0x1;
	_ =	strace $0x80000046;
	[dreg:$0x1] =	wrdreg $0xFFFFFFFF  }
0xae: {  	s28 =	simm.s32 $_size_execute0_lowered;
	s6 =	sadd.s32 s6, s7;
	[dreg:$0x0] =	wrdreg $0x0  }
0xaf: {  	s7 =	sshll.u32 s28, $0x1;
	[dreg:$0x2] =	wrdreg s6  }
0xb0: {  	[dreg:$0x3] =	wrdreg s7  }
0xb1: {  	[dreg:$0x4] =	wrdreg $0xC0  }
0xb2: {  	_ =	task [dreg:s10], $0x5FFFF  }
0xb3: {  	[dreg:$0x1] =	wrdreg $0xFFFFFFFF  }
0xb4: {  	[dreg:$0x0] =	wrdreg $0x60  }
0xb5: {  	[dreg:$0x2] =	wrdreg s16  }
0xb6: {  	[dreg:$0x3] =	wrdreg s4  }
0xb7: {  	[dreg:$0x4] =	wrdreg s17  }
0xb8: {  	[dreg:$0x5] =	wrdreg s18  }
0xb9: {  	[dreg:$0x6] =	wrdreg $0x1E0000  }
0xba: {  	[dreg:$0x7] =	wrdreg $0x9  }
0xbb: {  	_ =	task.clear_ibuf [dreg:s10], $0x8FFFF;
	_ =	strace $0x90000046  }
0xbc: {  	s29 =	simm.s32 $0x9;
	_ =	strace $0x80000048  }
0xbd: {  	_ =	swait.ge [sflag:s29], $0x1  }
0xbe: {  	[sflag:s29] =	ssyncadd.s32 $0xFFFFFFFF  }
0xbf: {  	_ =	strace $0x90000048  }
0xc0: {  	_ =	sfence  }
0xc1: {  	s30 =	sld [smem:$0x0];
	_ =	sdelay $0x2  }
0xc2: {  	s31 =	sshll.u32 s1, $0xD;
	s1 =	sshrl.u32 s1, $0x2  }
0xc3: {  	s3 =	sand.u32 $0x4000, s31;
	s1 =	sadd.s32 s1, s30  }
0xc4: {  	s0 =	sor.u32 s3, s0;
	s1 =	sshll.u32 s1, $0x11  }
0xc5: {  	s0 =	sor.u32 s1, s0  }
0xc6: {  	s0 =	sadd.s32 $0x8F2B, s0  }
0xc7: {  	[sflag:s0] =	ssyncadd.remote.s32 $0x1  }
0xc8: {  	_ =	sfence.sel $0xFFFF  }
0xc9: {  	[dreg:$0x0] =	wrdreg $0xFFFFFFFF;
	(pc) =	sbr.abs _section_cstart, $3  }
0xca: {  	[dreg:$0x1] =	wrdreg $0xFFFFFFFF  }
0xcb: {  	_ =	task.clear_ibuf [dreg:s10], $0x2FFFF;
	_ =	strace $0x9FFFFFFF  }
0xcc: {  	(tm) =	ssettm $0x7FFFFFFF  }
0xcd: {  	_ =	shalt  }
tec
execute0_lowered:
.L_overlay_start_1:
0x0: {  	(tag) =	ssettag $0x1  }
0x1: {  	s2 =	rddreg [dreg:$0x0]  }
0x2: {  	s3 =	rddreg [dreg:$0x1]  }
0x3: {  	s4 =	rddreg [dreg:$0x2]  }
0x4: {  	s0 =	srdreg.scid;
	s25 =	rddreg [dreg:$0x4]  }
0x5: {  	s22 =	stileid.u32;
	s29 =	simm.s32 $0x6;
	s30 =	simm.s32 $0x80  }
0x6: {  	s31 =	simm.s32 $0x400;
	s1 =	sand.u32 $0x1, s0;
	s0 =	rddreg [dreg:$0x3]  }
0x7: {  	s7 =	sshll.u32 s22, $0x8;
	s9 =	sshll.u32 s22, $0x12;
	s11 =	smul.u32 $0x30000, s22  }
0x8: {  	s5 =	ssub.s32 $0x2, s1;
	s8 =	sshll.u32 s1, $0x9;
	s3 =	sadd.s32 s3, s7  }
0x9: {  	s6 =	sshrl.u32 s5, $0x1;
	[dreg:$0x6] =	wrdreg s3;
	s24 =	sor.u32 s8, s9  }
0xa: {  	s26 =	sor.u32 $0x80, s8;
	s20 =	sor.u32 s8, s11;
	s7 =	sadd.s32 $0x10000, s11  }
0xb: {  	s21 =	sor.u32 $0x100, s8;
	s15 =	sadd.s32 $0x20000, s11;
	s1 =	ssub.s32 s5, s6  }
0xc: {  	s3 =	sshrl.u32 s24, $0x3;
	s6 =	sshll.u32 s22, $0x10;
	s16 =	sor.u32 s9, s26  }
0xd: {  	s12 =	sor.u32 s8, s7;
	s13 =	sor.u32 s9, s21;
	s24 =	sor.u32 s11, s26  }
0xe: {  	s5 =	sor.u32 s26, s15;
	s10 =	sor.u32 s8, s6;
	s3 =	sadd.s32 s2, s3  }
0xf: {  	s17 =	sshrl.u32 s16, $0x3;
	s14 =	sor.u32 s6, s26;
	s13 =	sshrl.u32 s13, $0x3  }
0x10: {  	s16 =	sor.u32 s8, s15;
	s8 =	sor.u32 $0x180, s8;
	s24 =	sshrl.u32 s24, $0x3  }
0x11: {  	s5 =	sshrl.u32 s5, $0x3;
	[dreg:$0x7] =	wrdreg s3;
	s18 =	sshrl.u32 s10, $0x3  }
0x12: {  	s3 =	sadd.s32 s2, s17;
	s14 =	sshrl.u32 s14, $0x3;
	s13 =	sadd.s32 s2, s13  }
0x13: {  	s17 =	sor.u32 s26, s7;
	s9 =	sor.u32 s9, s8;
	s26 =	sor.u32 s6, s21  }
0x14: {  	s6 =	sor.u32 s6, s8;
	[dreg:$0x8] =	wrdreg s3;
	s19 =	sadd.s32 s4, s18  }
0x15: {  	s3 =	sshrl.u32 s20, $0x3;
	[dreg:$0xa] =	wrdreg s13;
	s23 =	sadd.s32 s4, s14  }
0x16: {  	s9 =	sshrl.u32 s9, $0x3;
	s14 =	sshrl.u32 s26, $0x3;
	s18 =	sor.u32 s11, s21  }
0x17: {  	s20 =	sor.u32 s11, s8;
	s26 =	sshrl.u32 s17, $0x3;
	s17 =	sadd.s32 s0, s5  }
0x18: {  	s13 =	sshll.u32 s22, $0xB;
	s5 =	simm.s32 $0x2;
	[dreg:$0x9] =	wrdreg s19  }
0x19: {  	[dreg:$0xb] =	wrdreg s23;
	s2 =	sadd.s32 s2, s9;
	s9 =	sadd.s32 s4, s14  }
0x1a: {  	s14 =	sshrl.u32 s6, $0x3;
	s19 =	sor.u32 s21, s15;
	s3 =	sadd.s32 s0, s3  }
0x1b: {  	s23 =	sshrl.u32 s16, $0x3;
	s6 =	sshrl.u32 s18, $0x3;
	s16 =	sadd.s32 s0, s26  }
0x1c: {  	s26 =	sshll.u32 s22, $0x6;
	s22 =	simm.s32 $0x18000;
	[dreg:$0xc] =	wrdreg s2  }
0x1d: {  	[dreg:$0xd] =	wrdreg s9;
	s2 =	sadd.s32 s4, s14;
	s9 =	sor.u32 s21, s7  }
0x1e: {  	s7 =	sor.u32 s8, s7;
	s8 =	sor.u32 s8, s15;
	[dreg:$0xf] =	wrdreg s3  }
0x1f: {  	s21 =	sshrl.u32 s12, $0x3;
	s14 =	sadd.s32 s0, s23;
	s15 =	sadd.s32 s0, s24  }
0x20: {  	s18 =	sadd.s32 s0, s6;
	s6 =	sshrl.u32 s19, $0x3;
	s12 =	simm.s32 $0x0  }
0x21: {  	s4 =	simm.s32 $0x3;
	[dreg:$0xe] =	wrdreg s2;
	s3 =	sadd.s32 s0, s21  }
0x22: {  	s2 =	sshrl.u32 s9, $0x3;
	s9 =	sshrl.u32 s20, $0x3;
	s20 =	sadd.s32 s0, s6  }
0x23: {  	s10 =	sshrl.u32 s7, $0x3;
	s11 =	sshrl.u32 s8, $0x3;
	[smem:$0x7FF] =	sst s12  }
0x24: {  	s6 =	simm.s32 $0x4;
	s7 =	simm.s32 $0x5;
	s8 =	simm.s32 $0x0  }
0x25: {  	[dreg:$0x10] =	wrdreg s3;
	s19 =	sadd.s32 s0, s2;
	s21 =	sadd.s32 s0, s9  }
0x26: {  	s23 =	sadd.s32 s0, s10;
	s24 =	sadd.s32 s0, s11;
	s0 =	sadd.s32 s13, s25  }
0x27: {  	s25 =	sor.u32 $0x1C06, s26;
	s26 =	smax.u32 s1, $0x1;
	s10 =	simm.s32 $0x8000  }
0x28: {  	s1 =	simm.s32 $0x10000;
	s2 =	simm.s32 $0x1A000;
	s3 =	simm.s32 $0x1C000  }
0x29: {  	_ =	strace $0x80000047;
	s28 =	sshrl.u32 s0, $0x3;
	s0 =	simm.s32 $0x1  }
.LBB2_1:
0x2a: {  	s9 =	rddreg [dreg:$0x6]  }
0x2b: {  	[spmem:s28], [sflag:s25] =	dma.local [hbm:s9], $0x100  }
0x2c: {  	_ =	swait.ge [sflag:s29], $0x100  }
0x2d: {  	[sflag:s29] =	ssyncset.done $0x0  }
0x2e: {  	s12 =	rddreg [dreg:$0x7];
	[sflag:s29] =	ssyncadd.s32 $0xFFFFFF00  }
0x2f: {  	[tilespmem:s10], [sflag:$0x1] =	stream.strided.gather [hbm4b:s12+s30], $0x8000, s31, s30, $0x38;
	[tilespmem:$0x1E800] =	vst v63  }
0x30: {  	[bflag:$0x0] =	sbarrier.arrive $0xFFFF  }
0x31: {  	s11 =	simm.s32 $0x0;
	s13 =	rddreg [dreg:$0x4]  }
0x32: {  	[tilespmem:s11], [sflag:$0x6] =	stream.linear.gather [spmem:s13], $0x8000, $0x38;
	[tilespmem:$0x1E800] =	vst v63  }
0x33: {  	_ =	swait.ge [sflag:s29], $0x8000  }
0x34: {  	[sflag:s29] =	ssyncset.done $0x0  }
0x35: {  	[sflag:s29] =	ssyncadd.s32 $0xFFFF8000  }
0x36: {  	_ =	swait.ge [sflag:s0], $0x8000  }
0x37: {  	[sflag:s0] =	ssyncset.done $0x0  }
0x38: {  	s13 =	simm.s32 $0x40;
	s12 =	rddreg [dreg:$0x8];
	[sflag:s0] =	ssyncadd.s32 $0xFFFF8000  }
0x39: {  	[tilespmem:s1], [sflag:$0x2] =	stream.strided.gather [hbm4b:s12+s30], $0x8000, s31, s30, $0x38;
	[tilespmem:$0x1E800] =	vst v63  }
0x3a: {  	v0 =	vld [tilespmem:s13+$0x30]  }
0x3b: {  	v1 =	vld [tilespmem:s13+$0xFFFFFFD0]  }
0x3c: {  	v2 =	vld [tilespmem:s13+$0xFFFFFFE0]  }
0x3d: {  	v3 =	vld [tilespmem:s13+$0xFFFFFFF0]  }
0x3e: {  	v4 =	vld [tilespmem:s13+$0x0]  }
0x3f: {  	v6 =	vld [tilespmem:s13+$0x10]  }
0x40: {  	v7 =	vld [tilespmem:s13+$0x20]  }
0x41: {  	v8 =	vld [tilespmem:s13+$0xFFFFFFC0]  }
0x42: {  	v9 =	vld.idx.msk [tilespmem:v0+s10+$0x0], $0xffff  }
0x43: {  	v10 =	vld.idx.msk [tilespmem:v1+s10+$0x0], $0xffff  }
0x44: {  	v5 =	vld.idx.msk [tilespmem:v2+s10+$0x0], $0xffff  }
0x45: {  	v3 =	vld.idx.msk [tilespmem:v3+s10+$0x0], $0xffff  }
0x46: {  	v0 =	vld.idx.msk [tilespmem:v4+s10+$0x0], $0xffff  }
0x47: {  	s9 =	simm.s32 $0x18040;
	v1 =	vld.idx.msk [tilespmem:v6+s10+$0x0], $0xffff  }
0x48: {  	v2 =	vld.idx.msk [tilespmem:v7+s10+$0x0], $0xffff;
	[tilespmem:s9+$0x30] =	vst v9  }
0x49: {  	s11 =	simm.s32 $0x0;
	s12 =	simm.s32 $0xC0;
	v4 =	vld.idx.msk [tilespmem:v8+s10+$0x0], $0xffff;
	[tilespmem:s9+$0xFFFFFFD0] =	vst v10  }
.LBB2_2:
0x4a: {  	v6 =	vld [tilespmem:s12+$0x30];
	s11 =	sadd.s32 $0x80, s11;
	[tilespmem:s9+$0xFFFFFFE0] =	vst v5  }
0x4b: {  	v5 =	vld [tilespmem:s12+$0xFFFFFFD0];
	p0 =	slt.u32 s11, $0x1F80;
	[tilespmem:s9+$0xFFFFFFF0] =	vst v3  }
0x4c: {  	v3 =	vld [tilespmem:s12+$0xFFFFFFE0];
	[tilespmem:s9+$0x0] =	vst v0  }
0x4d: {  	v0 =	vld [tilespmem:s12+$0xFFFFFFF0];
	[tilespmem:s9+$0x10] =	vst v1  }
0x4e: {  	v1 =	vld [tilespmem:s12+$0x0];
	[tilespmem:s9+$0x20] =	vst v2  }
0x4f: {  	v2 =	vld [tilespmem:s12+$0x10];
	[tilespmem:s9+$0xFFFFFFC0] =	vst v4  }
0x50: {  	v4 =	vld [tilespmem:s12+$0x20]  }
0x51: {  	v7 =	vld [tilespmem:s12+$0xFFFFFFC0]  }
0x52: {  	v6 =	vld.idx.msk [tilespmem:v6+s10+$0x0], $0xffff  }
0x53: {  	v8 =	vld.idx.msk [tilespmem:v5+s10+$0x0], $0xffff  }
0x54: {  	v5 =	vld.idx.msk [tilespmem:v3+s10+$0x0], $0xffff  }
.Ltmp0:
0x55: {  	v3 =	vld.idx.msk [tilespmem:v0+s10+$0x0], $0xffff;
	(pc) =	sbr.rel @p0 .LBB2_2-.Ltmp0, $4  }
0x56: {  	v0 =	vld.idx.msk [tilespmem:v1+s10+$0x0], $0xffff  }
0x57: {  	s9 =	sadd.s32 $0x80, s9;
	v1 =	vld.idx.msk [tilespmem:v2+s10+$0x0], $0xffff  }
0x58: {  	v2 =	vld.idx.msk [tilespmem:v4+s10+$0x0], $0xffff;
	[tilespmem:s9+$0x30] =	vst v6  }
0x59: {  	s12 =	sadd.s32 $0x80, s12;
	v4 =	vld.idx.msk [tilespmem:v7+s10+$0x0], $0xffff;
	[tilespmem:s9+$0xFFFFFFD0] =	vst v8  }
0x5a: {  	[tilespmem:s9+$0xFFFFFFE0] =	vst v5  }
0x5b: {  	[tilespmem:s9+$0xFFFFFFF0] =	vst v3  }
0x5c: {  	[tilespmem:s9+$0x0] =	vst v0  }
0x5d: {  	[tilespmem:s9+$0x10] =	vst v1  }
0x5e: {  	[tilespmem:s9+$0x20] =	vst v2  }
0x5f: {  	[tilespmem:s9+$0xFFFFFFC0] =	vst v4  }
0x60: {  	s13 =	simm.s32 $0x2070;
	s9 =	rddreg [dreg:$0x9]  }
0x61: {  	[hbm4b:s9+s30] =	stream.strided.scatter [tilespmem:s22], [sflag:$0x3], $0x2000, s31, s30, $0x38;
	[tilespmem:$0x1E800] =	vst v63  }
0x62: {  	v0 =	vld [tilespmem:s13+$0x0]  }
0x63: {  	v1 =	vld [tilespmem:s13+$0xFFFFFFA0]  }
0x64: {  	v2 =	vld [tilespmem:s13+$0xFFFFFFB0]  }
0x65: {  	v3 =	vld [tilespmem:s13+$0xFFFFFFC0]  }
0x66: {  	v4 =	vld [tilespmem:s13+$0xFFFFFFD0]  }
0x67: {  	v6 =	vld [tilespmem:s13+$0xFFFFFFE0]  }
0x68: {  	v7 =	vld [tilespmem:s13+$0xFFFFFFF0]  }
0x69: {  	v8 =	vld [tilespmem:s13+$0xFFFFFF90]  }
0x6a: {  	v9 =	vld.idx.msk [tilespmem:v0+s10+$0x0], $0xffff  }
0x6b: {  	v10 =	vld.idx.msk [tilespmem:v1+s10+$0x0], $0xffff  }
0x6c: {  	v5 =	vld.idx.msk [tilespmem:v2+s10+$0x0], $0xffff  }
0x6d: {  	v3 =	vld.idx.msk [tilespmem:v3+s10+$0x0], $0xffff  }
0x6e: {  	v0 =	vld.idx.msk [tilespmem:v4+s10+$0x0], $0xffff  }
0x6f: {  	s9 =	simm.s32 $0x1A040;
	v1 =	vld.idx.msk [tilespmem:v6+s10+$0x0], $0xffff  }
0x70: {  	v2 =	vld.idx.msk [tilespmem:v7+s10+$0x0], $0xffff;
	[tilespmem:s9+$0x30] =	vst v9  }
0x71: {  	s11 =	simm.s32 $0x0;
	s12 =	simm.s32 $0x20F0;
	v4 =	vld.idx.msk [tilespmem:v8+s10+$0x0], $0xffff;
	[tilespmem:s9+$0xFFFFFFD0] =	vst v10  }
.LBB2_4:
0x72: {  	v6 =	vld [tilespmem:s12+$0x0];
	s11 =	sadd.s32 $0x80, s11;
	[tilespmem:s9+$0xFFFFFFE0] =	vst v5  }
0x73: {  	v5 =	vld [tilespmem:s12+$0xFFFFFFA0];
	p0 =	slt.u32 s11, $0x1F80;
	[tilespmem:s9+$0xFFFFFFF0] =	vst v3  }
0x74: {  	v3 =	vld [tilespmem:s12+$0xFFFFFFB0];
	[tilespmem:s9+$0x0] =	vst v0  }
0x75: {  	v0 =	vld [tilespmem:s12+$0xFFFFFFC0];
	[tilespmem:s9+$0x10] =	vst v1  }
0x76: {  	v1 =	vld [tilespmem:s12+$0xFFFFFFD0];
	[tilespmem:s9+$0x20] =	vst v2  }
0x77: {  	v2 =	vld [tilespmem:s12+$0xFFFFFFE0];
	[tilespmem:s9+$0xFFFFFFC0] =	vst v4  }
0x78: {  	v4 =	vld [tilespmem:s12+$0xFFFFFFF0]  }
0x79: {  	v7 =	vld [tilespmem:s12+$0xFFFFFF90]  }
0x7a: {  	v6 =	vld.idx.msk [tilespmem:v6+s10+$0x0], $0xffff  }
0x7b: {  	v8 =	vld.idx.msk [tilespmem:v5+s10+$0x0], $0xffff  }
0x7c: {  	v5 =	vld.idx.msk [tilespmem:v3+s10+$0x0], $0xffff  }
.Ltmp1:
0x7d: {  	v3 =	vld.idx.msk [tilespmem:v0+s10+$0x0], $0xffff;
	(pc) =	sbr.rel @p0 .LBB2_4-.Ltmp1, $4  }
0x7e: {  	v0 =	vld.idx.msk [tilespmem:v1+s10+$0x0], $0xffff  }
0x7f: {  	s9 =	sadd.s32 $0x80, s9;
	v1 =	vld.idx.msk [tilespmem:v2+s10+$0x0], $0xffff  }
0x80: {  	v2 =	vld.idx.msk [tilespmem:v4+s10+$0x0], $0xffff;
	[tilespmem:s9+$0x30] =	vst v6  }
0x81: {  	s12 =	sadd.s32 $0x80, s12;
	v4 =	vld.idx.msk [tilespmem:v7+s10+$0x0], $0xffff;
	[tilespmem:s9+$0xFFFFFFD0] =	vst v8  }
0x82: {  	[tilespmem:s9+$0xFFFFFFE0] =	vst v5  }
0x83: {  	[tilespmem:s9+$0xFFFFFFF0] =	vst v3  }
0x84: {  	[tilespmem:s9+$0x0] =	vst v0  }
0x85: {  	[tilespmem:s9+$0x10] =	vst v1  }
0x86: {  	[tilespmem:s9+$0x20] =	vst v2  }
0x87: {  	[tilespmem:s9+$0xFFFFFFC0] =	vst v4  }
0x88: {  	s9 =	rddreg [dreg:$0xf]  }
0x89: {  	[hbm4b:s9+s30] =	stream.strided.scatter [tilespmem:s2], [sflag:$0x4], $0x2000, s31, s30, $0x38;
	[tilespmem:$0x1E800] =	vst v63  }
0x8a: {  	s9 =	simm.s32 $0x0  }
0x8b: {  	v1 =	vld [tilespmem:s9+$0x4070]  }
0x8c: {  	v2 =	vld [tilespmem:s9+$0x4000]  }
0x8d: {  	v3 =	vld [tilespmem:s9+$0x4010]  }
0x8e: {  	v4 =	vld [tilespmem:s9+$0x4020]  }
0x8f: {  	v7 =	vld [tilespmem:s9+$0x4030]  }
0x90: {  	v8 =	vld [tilespmem:s9+$0x4040]  }
0x91: {  	v9 =	vld [tilespmem:s9+$0x4050]  }
0x92: {  	v0 =	vld [tilespmem:s9+$0x4060]  }
0x93: {  	v10 =	vld.idx.msk [tilespmem:v1+s10+$0x0], $0xffff  }
0x94: {  	v6 =	vld.idx.msk [tilespmem:v2+s10+$0x0], $0xffff  }
0x95: {  	v5 =	vld.idx.msk [tilespmem:v3+s10+$0x0], $0xffff  }
0x96: {  	v4 =	vld.idx.msk [tilespmem:v4+s10+$0x0], $0xffff  }
0x97: {  	v3 =	vld.idx.msk [tilespmem:v7+s10+$0x0], $0xffff  }
0x98: {  	v1 =	vld.idx.msk [tilespmem:v8+s10+$0x0], $0xffff  }
0x99: {  	s11 =	simm.s32 $0x0;
	s12 =	simm.s32 $0x200;
	v2 =	vld.idx.msk [tilespmem:v9+s10+$0x0], $0xffff;
	[tilespmem:s9+$0x1C070] =	vst v10  }
.LBB2_6:
0x9a: {  	s13 =	sshra.s32 s12, $0x2;
	s11 =	sadd.s32 $0x80, s11;
	[tilespmem:s9+$0x1C000] =	vst v6;
	v0 =	vld.idx.msk [tilespmem:v0+s10+$0x0], $0xffff  }
0x9b: {  	v6 =	vld [tilespmem:s13+$0x4070];
	p0 =	slt.u32 s11, $0x1F80;
	[tilespmem:s9+$0x1C010] =	vst v5  }
0x9c: {  	v5 =	vld [tilespmem:s13+$0x4000];
	[tilespmem:s9+$0x1C020] =	vst v4  }
0x9d: {  	v4 =	vld [tilespmem:s13+$0x4010];
	[tilespmem:s9+$0x1C030] =	vst v3  }
0x9e: {  	v3 =	vld [tilespmem:s13+$0x4020];
	[tilespmem:s9+$0x1C040] =	vst v1  }
0x9f: {  	v1 =	vld [tilespmem:s13+$0x4030];
	[tilespmem:s9+$0x1C050] =	vst v2  }
0xa0: {  	v2 =	vld [tilespmem:s13+$0x4040];
	[tilespmem:s9+$0x1C060] =	vst v0;
	s9 =	smov.u32 s13  }
0xa1: {  	v7 =	vld [tilespmem:s9+$0x4050]  }
0xa2: {  	v0 =	vld [tilespmem:s9+$0x4060]  }
0xa3: {  	v8 =	vld.idx.msk [tilespmem:v6+s10+$0x0], $0xffff  }
0xa4: {  	v6 =	vld.idx.msk [tilespmem:v5+s10+$0x0], $0xffff  }
.Ltmp2:
0xa5: {  	v5 =	vld.idx.msk [tilespmem:v4+s10+$0x0], $0xffff;
	(pc) =	sbr.rel @p0 .LBB2_6-.Ltmp2, $4  }
0xa6: {  	v4 =	vld.idx.msk [tilespmem:v3+s10+$0x0], $0xffff  }
0xa7: {  	v3 =	vld.idx.msk [tilespmem:v1+s10+$0x0], $0xffff  }
0xa8: {  	v1 =	vld.idx.msk [tilespmem:v2+s10+$0x0], $0xffff  }
0xa9: {  	s12 =	sadd.s32 $0x200, s12;
	v2 =	vld.idx.msk [tilespmem:v7+s10+$0x0], $0xffff;
	[tilespmem:s9+$0x1C070] =	vst v8  }
0xaa: {  	_ =	sdelay $0x2  }
0xab: {  	[tilespmem:s9+$0x1C000] =	vst v6  }
0xac: {  	v0 =	vld.idx.msk [tilespmem:v0+s10+$0x0], $0xffff;
	[tilespmem:s9+$0x1C010] =	vst v5  }
0xad: {  	[tilespmem:s9+$0x1C020] =	vst v4  }
0xae: {  	[tilespmem:s9+$0x1C030] =	vst v3  }
0xaf: {  	[tilespmem:s9+$0x1C040] =	vst v1  }
0xb0: {  	[tilespmem:s9+$0x1C050] =	vst v2  }
0xb1: {  	[tilespmem:s9+$0x1C060] =	vst v0  }
0xb2: {  	s9 =	rddreg [dreg:$0x10]  }
0xb3: {  	[hbm4b:s9+s30] =	stream.strided.scatter [tilespmem:s3], [sflag:$0x5], $0x2000, s31, s30, $0x38;
	[tilespmem:$0x1E800] =	vst v63  }
0xb4: {  	_ =	swait.ge [sflag:s4], $0x2000  }
0xb5: {  	[sflag:s4] =	ssyncset.done $0x0  }
0xb6: {  	s9 =	simm.s32 $0x0;
	[sflag:s4] =	ssyncadd.s32 $0xFFFFE000  }
0xb7: {  	v1 =	vld [tilespmem:s9+$0x6070]  }
0xb8: {  	v2 =	vld [tilespmem:s9+$0x6000]  }
0xb9: {  	v3 =	vld [tilespmem:s9+$0x6010]  }
0xba: {  	v4 =	vld [tilespmem:s9+$0x6020]  }
0xbb: {  	v7 =	vld [tilespmem:s9+$0x6030]  }
0xbc: {  	v8 =	vld [tilespmem:s9+$0x6040]  }
0xbd: {  	v9 =	vld [tilespmem:s9+$0x6050]  }
0xbe: {  	v0 =	vld [tilespmem:s9+$0x6060]  }
0xbf: {  	v10 =	vld.idx.msk [tilespmem:v1+s10+$0x0], $0xffff  }
0xc0: {  	v6 =	vld.idx.msk [tilespmem:v2+s10+$0x0], $0xffff  }
0xc1: {  	v5 =	vld.idx.msk [tilespmem:v3+s10+$0x0], $0xffff  }
0xc2: {  	v4 =	vld.idx.msk [tilespmem:v4+s10+$0x0], $0xffff  }
0xc3: {  	v3 =	vld.idx.msk [tilespmem:v7+s10+$0x0], $0xffff  }
0xc4: {  	v1 =	vld.idx.msk [tilespmem:v8+s10+$0x0], $0xffff  }
0xc5: {  	s11 =	simm.s32 $0x0;
	s12 =	simm.s32 $0x200;
	v2 =	vld.idx.msk [tilespmem:v9+s10+$0x0], $0xffff;
	[tilespmem:s9+$0x18070] =	vst v10  }
.LBB2_8:
0xc6: {  	s13 =	sshra.s32 s12, $0x2;
	s11 =	sadd.s32 $0x80, s11;
	[tilespmem:s9+$0x18000] =	vst v6;
	v0 =	vld.idx.msk [tilespmem:v0+s10+$0x0], $0xffff  }
0xc7: {  	v6 =	vld [tilespmem:s13+$0x6070];
	p0 =	slt.u32 s11, $0x1F80;
	[tilespmem:s9+$0x18010] =	vst v5  }
0xc8: {  	v5 =	vld [tilespmem:s13+$0x6000];
	[tilespmem:s9+$0x18020] =	vst v4  }
0xc9: {  	v4 =	vld [tilespmem:s13+$0x6010];
	[tilespmem:s9+$0x18030] =	vst v3  }
0xca: {  	v3 =	vld [tilespmem:s13+$0x6020];
	[tilespmem:s9+$0x18040] =	vst v1  }
0xcb: {  	v1 =	vld [tilespmem:s13+$0x6030];
	[tilespmem:s9+$0x18050] =	vst v2  }
0xcc: {  	v2 =	vld [tilespmem:s13+$0x6040];
	[tilespmem:s9+$0x18060] =	vst v0;
	s9 =	smov.u32 s13  }
0xcd: {  	v7 =	vld [tilespmem:s9+$0x6050]  }
0xce: {  	v0 =	vld [tilespmem:s9+$0x6060]  }
0xcf: {  	v8 =	vld.idx.msk [tilespmem:v6+s10+$0x0], $0xffff  }
0xd0: {  	v6 =	vld.idx.msk [tilespmem:v5+s10+$0x0], $0xffff  }
.Ltmp3:
0xd1: {  	v5 =	vld.idx.msk [tilespmem:v4+s10+$0x0], $0xffff;
	(pc) =	sbr.rel @p0 .LBB2_8-.Ltmp3, $4  }
0xd2: {  	v4 =	vld.idx.msk [tilespmem:v3+s10+$0x0], $0xffff  }
0xd3: {  	v3 =	vld.idx.msk [tilespmem:v1+s10+$0x0], $0xffff  }
0xd4: {  	v1 =	vld.idx.msk [tilespmem:v2+s10+$0x0], $0xffff  }
0xd5: {  	s12 =	sadd.s32 $0x200, s12;
	v2 =	vld.idx.msk [tilespmem:v7+s10+$0x0], $0xffff;
	[tilespmem:s9+$0x18070] =	vst v8  }
0xd6: {  	_ =	sdelay $0x2  }
0xd7: {  	[tilespmem:s9+$0x18000] =	vst v6  }
0xd8: {  	v0 =	vld.idx.msk [tilespmem:v0+s10+$0x0], $0xffff;
	[tilespmem:s9+$0x18010] =	vst v5  }
0xd9: {  	[tilespmem:s9+$0x18020] =	vst v4  }
0xda: {  	[tilespmem:s9+$0x18030] =	vst v3  }
0xdb: {  	[tilespmem:s9+$0x18040] =	vst v1  }
0xdc: {  	[tilespmem:s9+$0x18050] =	vst v2  }
0xdd: {  	[tilespmem:s9+$0x18060] =	vst v0  }
0xde: {  	[hbm4b:s14+s30] =	stream.strided.scatter [tilespmem:s22], [sflag:$0x3], $0x2000, s31, s30, $0x38;
	[tilespmem:$0x1E800] =	vst v63  }
0xdf: {  	_ =	swait.ge [sflag:s5], $0x8000  }
0xe0: {  	[sflag:s5] =	ssyncset.done $0x0  }
0xe1: {  	s12 =	rddreg [dreg:$0xa];
	[sflag:s5] =	ssyncadd.s32 $0xFFFF8000  }
0xe2: {  	[tilespmem:s10], [sflag:$0x1] =	stream.strided.gather [hbm4b:s12+s30], $0x8000, s31, s30, $0x38;
	[tilespmem:$0x1E800] =	vst v63  }
0xe3: {  	_ =	swait.ge [sflag:s6], $0x2000  }
0xe4: {  	[sflag:s6] =	ssyncset.done $0x0  }
0xe5: {  	s13 =	simm.s32 $0x40;
	[sflag:s6] =	ssyncadd.s32 $0xFFFFE000  }
0xe6: {  	v0 =	vld [tilespmem:s13+$0x30]  }
0xe7: {  	v1 =	vld [tilespmem:s13+$0xFFFFFFD0]  }
0xe8: {  	v2 =	vld [tilespmem:s13+$0xFFFFFFE0]  }
0xe9: {  	v3 =	vld [tilespmem:s13+$0xFFFFFFF0]  }
0xea: {  	v4 =	vld [tilespmem:s13+$0x0]  }
0xeb: {  	v6 =	vld [tilespmem:s13+$0x10]  }
0xec: {  	v7 =	vld [tilespmem:s13+$0x20]  }
0xed: {  	v8 =	vld [tilespmem:s13+$0xFFFFFFC0]  }
0xee: {  	v9 =	vld.idx.msk [tilespmem:v0+s1+$0x0], $0xffff  }
0xef: {  	v10 =	vld.idx.msk [tilespmem:v1+s1+$0x0], $0xffff  }
0xf0: {  	v5 =	vld.idx.msk [tilespmem:v2+s1+$0x0], $0xffff  }
0xf1: {  	v3 =	vld.idx.msk [tilespmem:v3+s1+$0x0], $0xffff  }
0xf2: {  	v0 =	vld.idx.msk [tilespmem:v4+s1+$0x0], $0xffff  }
0xf3: {  	s9 =	simm.s32 $0x1A040;
	v1 =	vld.idx.msk [tilespmem:v6+s1+$0x0], $0xffff  }
0xf4: {  	v2 =	vld.idx.msk [tilespmem:v7+s1+$0x0], $0xffff;
	[tilespmem:s9+$0x30] =	vst v9  }
0xf5: {  	s11 =	simm.s32 $0x0;
	s12 =	simm.s32 $0xC0;
	v4 =	vld.idx.msk [tilespmem:v8+s1+$0x0], $0xffff;
	[tilespmem:s9+$0xFFFFFFD0] =	vst v10  }
.LBB2_10:
0xf6: {  	v6 =	vld [tilespmem:s12+$0x30];
	s11 =	sadd.s32 $0x80, s11;
	[tilespmem:s9+$0xFFFFFFE0] =	vst v5  }
0xf7: {  	v5 =	vld [tilespmem:s12+$0xFFFFFFD0];
	p0 =	slt.u32 s11, $0x1F80;
	[tilespmem:s9+$0xFFFFFFF0] =	vst v3  }
0xf8: {  	v3 =	vld [tilespmem:s12+$0xFFFFFFE0];
	[tilespmem:s9+$0x0] =	vst v0  }
0xf9: {  	v0 =	vld [tilespmem:s12+$0xFFFFFFF0];
	[tilespmem:s9+$0x10] =	vst v1  }
0xfa: {  	v1 =	vld [tilespmem:s12+$0x0];
	[tilespmem:s9+$0x20] =	vst v2  }
0xfb: {  	v2 =	vld [tilespmem:s12+$0x10];
	[tilespmem:s9+$0xFFFFFFC0] =	vst v4  }
0xfc: {  	v4 =	vld [tilespmem:s12+$0x20]  }
0xfd: {  	v7 =	vld [tilespmem:s12+$0xFFFFFFC0]  }
0xfe: {  	v6 =	vld.idx.msk [tilespmem:v6+s1+$0x0], $0xffff  }
0xff: {  	v8 =	vld.idx.msk [tilespmem:v5+s1+$0x0], $0xffff  }
0x100: {  	v5 =	vld.idx.msk [tilespmem:v3+s1+$0x0], $0xffff  }
.Ltmp4:
0x101: {  	v3 =	vld.idx.msk [tilespmem:v0+s1+$0x0], $0xffff;
	(pc) =	sbr.rel @p0 .LBB2_10-.Ltmp4, $4  }
0x102: {  	v0 =	vld.idx.msk [tilespmem:v1+s1+$0x0], $0xffff  }
0x103: {  	s9 =	sadd.s32 $0x80, s9;
	v1 =	vld.idx.msk [tilespmem:v2+s1+$0x0], $0xffff  }
0x104: {  	v2 =	vld.idx.msk [tilespmem:v4+s1+$0x0], $0xffff;
	[tilespmem:s9+$0x30] =	vst v6  }
0x105: {  	s12 =	sadd.s32 $0x80, s12;
	v4 =	vld.idx.msk [tilespmem:v7+s1+$0x0], $0xffff;
	[tilespmem:s9+$0xFFFFFFD0] =	vst v8  }
0x106: {  	[tilespmem:s9+$0xFFFFFFE0] =	vst v5  }
0x107: {  	[tilespmem:s9+$0xFFFFFFF0] =	vst v3  }
0x108: {  	[tilespmem:s9+$0x0] =	vst v0  }
0x109: {  	[tilespmem:s9+$0x10] =	vst v1  }
0x10a: {  	[tilespmem:s9+$0x20] =	vst v2  }
0x10b: {  	[tilespmem:s9+$0xFFFFFFC0] =	vst v4  }
0x10c: {  	s9 =	rddreg [dreg:$0xb]  }
0x10d: {  	[hbm4b:s9+s30] =	stream.strided.scatter [tilespmem:s2], [sflag:$0x4], $0x2000, s31, s30, $0x38;
	[tilespmem:$0x1E800] =	vst v63  }
0x10e: {  	_ =	swait.ge [sflag:s7], $0x2000  }
0x10f: {  	[sflag:s7] =	ssyncset.done $0x0  }
0x110: {  	s13 =	simm.s32 $0x2070;
	[sflag:s7] =	ssyncadd.s32 $0xFFFFE000  }
0x111: {  	v0 =	vld [tilespmem:s13+$0x0]  }
0x112: {  	v1 =	vld [tilespmem:s13+$0xFFFFFFA0]  }
0x113: {  	v2 =	vld [tilespmem:s13+$0xFFFFFFB0]  }
0x114: {  	v3 =	vld [tilespmem:s13+$0xFFFFFFC0]  }
0x115: {  	v4 =	vld [tilespmem:s13+$0xFFFFFFD0]  }
0x116: {  	v6 =	vld [tilespmem:s13+$0xFFFFFFE0]  }
0x117: {  	v7 =	vld [tilespmem:s13+$0xFFFFFFF0]  }
0x118: {  	v8 =	vld [tilespmem:s13+$0xFFFFFF90]  }
0x119: {  	v9 =	vld.idx.msk [tilespmem:v0+s1+$0x0], $0xffff  }
0x11a: {  	v10 =	vld.idx.msk [tilespmem:v1+s1+$0x0], $0xffff  }
0x11b: {  	v5 =	vld.idx.msk [tilespmem:v2+s1+$0x0], $0xffff  }
0x11c: {  	v3 =	vld.idx.msk [tilespmem:v3+s1+$0x0], $0xffff  }
0x11d: {  	v0 =	vld.idx.msk [tilespmem:v4+s1+$0x0], $0xffff  }
0x11e: {  	s9 =	simm.s32 $0x1C040;
	v1 =	vld.idx.msk [tilespmem:v6+s1+$0x0], $0xffff  }
0x11f: {  	v2 =	vld.idx.msk [tilespmem:v7+s1+$0x0], $0xffff;
	[tilespmem:s9+$0x30] =	vst v9  }
0x120: {  	s11 =	simm.s32 $0x0;
	s12 =	simm.s32 $0x20F0;
	v4 =	vld.idx.msk [tilespmem:v8+s1+$0x0], $0xffff;
	[tilespmem:s9+$0xFFFFFFD0] =	vst v10  }
.LBB2_12:
0x121: {  	v6 =	vld [tilespmem:s12+$0x0];
	s11 =	sadd.s32 $0x80, s11;
	[tilespmem:s9+$0xFFFFFFE0] =	vst v5  }
0x122: {  	v5 =	vld [tilespmem:s12+$0xFFFFFFA0];
	p0 =	slt.u32 s11, $0x1F80;
	[tilespmem:s9+$0xFFFFFFF0] =	vst v3  }
0x123: {  	v3 =	vld [tilespmem:s12+$0xFFFFFFB0];
	[tilespmem:s9+$0x0] =	vst v0  }
0x124: {  	v0 =	vld [tilespmem:s12+$0xFFFFFFC0];
	[tilespmem:s9+$0x10] =	vst v1  }
0x125: {  	v1 =	vld [tilespmem:s12+$0xFFFFFFD0];
	[tilespmem:s9+$0x20] =	vst v2  }
0x126: {  	v2 =	vld [tilespmem:s12+$0xFFFFFFE0];
	[tilespmem:s9+$0xFFFFFFC0] =	vst v4  }
0x127: {  	v4 =	vld [tilespmem:s12+$0xFFFFFFF0]  }
0x128: {  	v7 =	vld [tilespmem:s12+$0xFFFFFF90]  }
0x129: {  	v6 =	vld.idx.msk [tilespmem:v6+s1+$0x0], $0xffff  }
0x12a: {  	v8 =	vld.idx.msk [tilespmem:v5+s1+$0x0], $0xffff  }
0x12b: {  	v5 =	vld.idx.msk [tilespmem:v3+s1+$0x0], $0xffff  }
.Ltmp5:
0x12c: {  	v3 =	vld.idx.msk [tilespmem:v0+s1+$0x0], $0xffff;
	(pc) =	sbr.rel @p0 .LBB2_12-.Ltmp5, $4  }
0x12d: {  	v0 =	vld.idx.msk [tilespmem:v1+s1+$0x0], $0xffff  }
0x12e: {  	s9 =	sadd.s32 $0x80, s9;
	v1 =	vld.idx.msk [tilespmem:v2+s1+$0x0], $0xffff  }
0x12f: {  	v2 =	vld.idx.msk [tilespmem:v4+s1+$0x0], $0xffff;
	[tilespmem:s9+$0x30] =	vst v6  }
0x130: {  	s12 =	sadd.s32 $0x80, s12;
	v4 =	vld.idx.msk [tilespmem:v7+s1+$0x0], $0xffff;
	[tilespmem:s9+$0xFFFFFFD0] =	vst v8  }
0x131: {  	[tilespmem:s9+$0xFFFFFFE0] =	vst v5  }
0x132: {  	[tilespmem:s9+$0xFFFFFFF0] =	vst v3  }
0x133: {  	[tilespmem:s9+$0x0] =	vst v0  }
0x134: {  	[tilespmem:s9+$0x10] =	vst v1  }
0x135: {  	[tilespmem:s9+$0x20] =	vst v2  }
0x136: {  	[tilespmem:s9+$0xFFFFFFC0] =	vst v4  }
0x137: {  	[hbm4b:s15+s30] =	stream.strided.scatter [tilespmem:s3], [sflag:$0x5], $0x2000, s31, s30, $0x38;
	[tilespmem:$0x1E800] =	vst v63  }
0x138: {  	_ =	swait.ge [sflag:s4], $0x2000  }
0x139: {  	[sflag:s4] =	ssyncset.done $0x0  }
0x13a: {  	s9 =	simm.s32 $0x0;
	[sflag:s4] =	ssyncadd.s32 $0xFFFFE000  }
0x13b: {  	v1 =	vld [tilespmem:s9+$0x4070]  }
0x13c: {  	v2 =	vld [tilespmem:s9+$0x4000]  }
0x13d: {  	v3 =	vld [tilespmem:s9+$0x4010]  }
0x13e: {  	v4 =	vld [tilespmem:s9+$0x4020]  }
0x13f: {  	v7 =	vld [tilespmem:s9+$0x4030]  }
0x140: {  	v8 =	vld [tilespmem:s9+$0x4040]  }
0x141: {  	v9 =	vld [tilespmem:s9+$0x4050]  }
0x142: {  	v0 =	vld [tilespmem:s9+$0x4060]  }
0x143: {  	v10 =	vld.idx.msk [tilespmem:v1+s1+$0x0], $0xffff  }
0x144: {  	v6 =	vld.idx.msk [tilespmem:v2+s1+$0x0], $0xffff  }
0x145: {  	v5 =	vld.idx.msk [tilespmem:v3+s1+$0x0], $0xffff  }
0x146: {  	v4 =	vld.idx.msk [tilespmem:v4+s1+$0x0], $0xffff  }
0x147: {  	v3 =	vld.idx.msk [tilespmem:v7+s1+$0x0], $0xffff  }
0x148: {  	v1 =	vld.idx.msk [tilespmem:v8+s1+$0x0], $0xffff  }
0x149: {  	s11 =	simm.s32 $0x0;
	s12 =	simm.s32 $0x200;
	v2 =	vld.idx.msk [tilespmem:v9+s1+$0x0], $0xffff;
	[tilespmem:s9+$0x18070] =	vst v10  }
.LBB2_14:
0x14a: {  	s13 =	sshra.s32 s12, $0x2;
	s11 =	sadd.s32 $0x80, s11;
	[tilespmem:s9+$0x18000] =	vst v6;
	v0 =	vld.idx.msk [tilespmem:v0+s1+$0x0], $0xffff  }
0x14b: {  	v6 =	vld [tilespmem:s13+$0x4070];
	p0 =	slt.u32 s11, $0x1F80;
	[tilespmem:s9+$0x18010] =	vst v5  }
0x14c: {  	v5 =	vld [tilespmem:s13+$0x4000];
	[tilespmem:s9+$0x18020] =	vst v4  }
0x14d: {  	v4 =	vld [tilespmem:s13+$0x4010];
	[tilespmem:s9+$0x18030] =	vst v3  }
0x14e: {  	v3 =	vld [tilespmem:s13+$0x4020];
	[tilespmem:s9+$0x18040] =	vst v1  }
0x14f: {  	v1 =	vld [tilespmem:s13+$0x4030];
	[tilespmem:s9+$0x18050] =	vst v2  }
0x150: {  	v2 =	vld [tilespmem:s13+$0x4040];
	[tilespmem:s9+$0x18060] =	vst v0;
	s9 =	smov.u32 s13  }
0x151: {  	v7 =	vld [tilespmem:s9+$0x4050]  }
0x152: {  	v0 =	vld [tilespmem:s9+$0x4060]  }
0x153: {  	v8 =	vld.idx.msk [tilespmem:v6+s1+$0x0], $0xffff  }
0x154: {  	v6 =	vld.idx.msk [tilespmem:v5+s1+$0x0], $0xffff  }
.Ltmp6:
0x155: {  	v5 =	vld.idx.msk [tilespmem:v4+s1+$0x0], $0xffff;
	(pc) =	sbr.rel @p0 .LBB2_14-.Ltmp6, $4  }
0x156: {  	v4 =	vld.idx.msk [tilespmem:v3+s1+$0x0], $0xffff  }
0x157: {  	v3 =	vld.idx.msk [tilespmem:v1+s1+$0x0], $0xffff  }
0x158: {  	v1 =	vld.idx.msk [tilespmem:v2+s1+$0x0], $0xffff  }
0x159: {  	s12 =	sadd.s32 $0x200, s12;
	v2 =	vld.idx.msk [tilespmem:v7+s1+$0x0], $0xffff;
	[tilespmem:s9+$0x18070] =	vst v8  }
0x15a: {  	_ =	sdelay $0x2  }
0x15b: {  	[tilespmem:s9+$0x18000] =	vst v6  }
0x15c: {  	v0 =	vld.idx.msk [tilespmem:v0+s1+$0x0], $0xffff;
	[tilespmem:s9+$0x18010] =	vst v5  }
0x15d: {  	[tilespmem:s9+$0x18020] =	vst v4  }
0x15e: {  	[tilespmem:s9+$0x18030] =	vst v3  }
0x15f: {  	[tilespmem:s9+$0x18040] =	vst v1  }
0x160: {  	[tilespmem:s9+$0x18050] =	vst v2  }
0x161: {  	[tilespmem:s9+$0x18060] =	vst v0  }
0x162: {  	[hbm4b:s16+s30] =	stream.strided.scatter [tilespmem:s22], [sflag:$0x3], $0x2000, s31, s30, $0x38;
	[tilespmem:$0x1E800] =	vst v63  }
0x163: {  	_ =	swait.ge [sflag:s6], $0x2000  }
0x164: {  	[sflag:s6] =	ssyncset.done $0x0  }
0x165: {  	s9 =	simm.s32 $0x0;
	[sflag:s6] =	ssyncadd.s32 $0xFFFFE000  }
0x166: {  	v1 =	vld [tilespmem:s9+$0x6070]  }
0x167: {  	v2 =	vld [tilespmem:s9+$0x6000]  }
0x168: {  	v3 =	vld [tilespmem:s9+$0x6010]  }
0x169: {  	v4 =	vld [tilespmem:s9+$0x6020]  }
0x16a: {  	v7 =	vld [tilespmem:s9+$0x6030]  }
0x16b: {  	v8 =	vld [tilespmem:s9+$0x6040]  }
0x16c: {  	v9 =	vld [tilespmem:s9+$0x6050]  }
0x16d: {  	v0 =	vld [tilespmem:s9+$0x6060]  }
0x16e: {  	v10 =	vld.idx.msk [tilespmem:v1+s1+$0x0], $0xffff  }
0x16f: {  	v6 =	vld.idx.msk [tilespmem:v2+s1+$0x0], $0xffff  }
0x170: {  	v5 =	vld.idx.msk [tilespmem:v3+s1+$0x0], $0xffff  }
0x171: {  	v4 =	vld.idx.msk [tilespmem:v4+s1+$0x0], $0xffff  }
0x172: {  	v3 =	vld.idx.msk [tilespmem:v7+s1+$0x0], $0xffff  }
0x173: {  	v1 =	vld.idx.msk [tilespmem:v8+s1+$0x0], $0xffff  }
0x174: {  	s11 =	simm.s32 $0x0;
	s12 =	simm.s32 $0x200;
	v2 =	vld.idx.msk [tilespmem:v9+s1+$0x0], $0xffff;
	[tilespmem:s9+$0x1A070] =	vst v10  }
.LBB2_16:
0x175: {  	s13 =	sshra.s32 s12, $0x2;
	s11 =	sadd.s32 $0x80, s11;
	[tilespmem:s9+$0x1A000] =	vst v6;
	v0 =	vld.idx.msk [tilespmem:v0+s1+$0x0], $0xffff  }
0x176: {  	v6 =	vld [tilespmem:s13+$0x6070];
	p0 =	slt.u32 s11, $0x1F80;
	[tilespmem:s9+$0x1A010] =	vst v5  }
0x177: {  	v5 =	vld [tilespmem:s13+$0x6000];
	[tilespmem:s9+$0x1A020] =	vst v4  }
0x178: {  	v4 =	vld [tilespmem:s13+$0x6010];
	[tilespmem:s9+$0x1A030] =	vst v3  }
0x179: {  	v3 =	vld [tilespmem:s13+$0x6020];
	[tilespmem:s9+$0x1A040] =	vst v1  }
0x17a: {  	v1 =	vld [tilespmem:s13+$0x6030];
	[tilespmem:s9+$0x1A050] =	vst v2  }
0x17b: {  	v2 =	vld [tilespmem:s13+$0x6040];
	[tilespmem:s9+$0x1A060] =	vst v0;
	s9 =	smov.u32 s13  }
0x17c: {  	v7 =	vld [tilespmem:s9+$0x6050]  }
0x17d: {  	v0 =	vld [tilespmem:s9+$0x6060]  }
0x17e: {  	v8 =	vld.idx.msk [tilespmem:v6+s1+$0x0], $0xffff  }
0x17f: {  	v6 =	vld.idx.msk [tilespmem:v5+s1+$0x0], $0xffff  }
.Ltmp7:
0x180: {  	v5 =	vld.idx.msk [tilespmem:v4+s1+$0x0], $0xffff;
	(pc) =	sbr.rel @p0 .LBB2_16-.Ltmp7, $4  }
0x181: {  	v4 =	vld.idx.msk [tilespmem:v3+s1+$0x0], $0xffff  }
0x182: {  	v3 =	vld.idx.msk [tilespmem:v1+s1+$0x0], $0xffff  }
0x183: {  	v1 =	vld.idx.msk [tilespmem:v2+s1+$0x0], $0xffff  }
0x184: {  	s12 =	sadd.s32 $0x200, s12;
	v2 =	vld.idx.msk [tilespmem:v7+s1+$0x0], $0xffff;
	[tilespmem:s9+$0x1A070] =	vst v8  }
0x185: {  	_ =	sdelay $0x2  }
0x186: {  	[tilespmem:s9+$0x1A000] =	vst v6  }
0x187: {  	v0 =	vld.idx.msk [tilespmem:v0+s1+$0x0], $0xffff;
	[tilespmem:s9+$0x1A010] =	vst v5  }
0x188: {  	[tilespmem:s9+$0x1A020] =	vst v4  }
0x189: {  	[tilespmem:s9+$0x1A030] =	vst v3  }
0x18a: {  	[tilespmem:s9+$0x1A040] =	vst v1  }
0x18b: {  	[tilespmem:s9+$0x1A050] =	vst v2  }
0x18c: {  	[tilespmem:s9+$0x1A060] =	vst v0  }
0x18d: {  	[hbm4b:s17+s30] =	stream.strided.scatter [tilespmem:s2], [sflag:$0x4], $0x2000, s31, s30, $0x38;
	[tilespmem:$0x1E800] =	vst v63  }
0x18e: {  	_ =	swait.ge [sflag:s0], $0x8000  }
0x18f: {  	[sflag:s0] =	ssyncset.done $0x0  }
0x190: {  	s12 =	rddreg [dreg:$0xc];
	[sflag:s0] =	ssyncadd.s32 $0xFFFF8000  }
0x191: {  	[tilespmem:s1], [sflag:$0x2] =	stream.strided.gather [hbm4b:s12+s30], $0x8000, s31, s30, $0x38;
	[tilespmem:$0x1E800] =	vst v63  }
0x192: {  	_ =	swait.ge [sflag:s7], $0x2000  }
0x193: {  	[sflag:s7] =	ssyncset.done $0x0  }
0x194: {  	s13 =	simm.s32 $0x40;
	[sflag:s7] =	ssyncadd.s32 $0xFFFFE000  }
0x195: {  	v0 =	vld [tilespmem:s13+$0x30]  }
0x196: {  	v1 =	vld [tilespmem:s13+$0xFFFFFFD0]  }
0x197: {  	v2 =	vld [tilespmem:s13+$0xFFFFFFE0]  }
0x198: {  	v3 =	vld [tilespmem:s13+$0xFFFFFFF0]  }
0x199: {  	v4 =	vld [tilespmem:s13+$0x0]  }
0x19a: {  	v6 =	vld [tilespmem:s13+$0x10]  }
0x19b: {  	v7 =	vld [tilespmem:s13+$0x20]  }
0x19c: {  	v8 =	vld [tilespmem:s13+$0xFFFFFFC0]  }
0x19d: {  	v9 =	vld.idx.msk [tilespmem:v0+s10+$0x0], $0xffff  }
0x19e: {  	v10 =	vld.idx.msk [tilespmem:v1+s10+$0x0], $0xffff  }
0x19f: {  	v5 =	vld.idx.msk [tilespmem:v2+s10+$0x0], $0xffff  }
0x1a0: {  	v3 =	vld.idx.msk [tilespmem:v3+s10+$0x0], $0xffff  }
0x1a1: {  	v0 =	vld.idx.msk [tilespmem:v4+s10+$0x0], $0xffff  }
0x1a2: {  	s9 =	simm.s32 $0x1C040;
	v1 =	vld.idx.msk [tilespmem:v6+s10+$0x0], $0xffff  }
0x1a3: {  	v2 =	vld.idx.msk [tilespmem:v7+s10+$0x0], $0xffff;
	[tilespmem:s9+$0x30] =	vst v9  }
0x1a4: {  	s11 =	simm.s32 $0x0;
	s12 =	simm.s32 $0xC0;
	v4 =	vld.idx.msk [tilespmem:v8+s10+$0x0], $0xffff;
	[tilespmem:s9+$0xFFFFFFD0] =	vst v10  }
.LBB2_18:
0x1a5: {  	v6 =	vld [tilespmem:s12+$0x30];
	s11 =	sadd.s32 $0x80, s11;
	[tilespmem:s9+$0xFFFFFFE0] =	vst v5  }
0x1a6: {  	v5 =	vld [tilespmem:s12+$0xFFFFFFD0];
	p0 =	slt.u32 s11, $0x1F80;
	[tilespmem:s9+$0xFFFFFFF0] =	vst v3  }
0x1a7: {  	v3 =	vld [tilespmem:s12+$0xFFFFFFE0];
	[tilespmem:s9+$0x0] =	vst v0  }
0x1a8: {  	v0 =	vld [tilespmem:s12+$0xFFFFFFF0];
	[tilespmem:s9+$0x10] =	vst v1  }
0x1a9: {  	v1 =	vld [tilespmem:s12+$0x0];
	[tilespmem:s9+$0x20] =	vst v2  }
0x1aa: {  	v2 =	vld [tilespmem:s12+$0x10];
	[tilespmem:s9+$0xFFFFFFC0] =	vst v4  }
0x1ab: {  	v4 =	vld [tilespmem:s12+$0x20]  }
0x1ac: {  	v7 =	vld [tilespmem:s12+$0xFFFFFFC0]  }
0x1ad: {  	v6 =	vld.idx.msk [tilespmem:v6+s10+$0x0], $0xffff  }
0x1ae: {  	v8 =	vld.idx.msk [tilespmem:v5+s10+$0x0], $0xffff  }
0x1af: {  	v5 =	vld.idx.msk [tilespmem:v3+s10+$0x0], $0xffff  }
.Ltmp8:
0x1b0: {  	v3 =	vld.idx.msk [tilespmem:v0+s10+$0x0], $0xffff;
	(pc) =	sbr.rel @p0 .LBB2_18-.Ltmp8, $4  }
0x1b1: {  	v0 =	vld.idx.msk [tilespmem:v1+s10+$0x0], $0xffff  }
0x1b2: {  	s9 =	sadd.s32 $0x80, s9;
	v1 =	vld.idx.msk [tilespmem:v2+s10+$0x0], $0xffff  }
0x1b3: {  	v2 =	vld.idx.msk [tilespmem:v4+s10+$0x0], $0xffff;
	[tilespmem:s9+$0x30] =	vst v6  }
0x1b4: {  	s12 =	sadd.s32 $0x80, s12;
	v4 =	vld.idx.msk [tilespmem:v7+s10+$0x0], $0xffff;
	[tilespmem:s9+$0xFFFFFFD0] =	vst v8  }
0x1b5: {  	[tilespmem:s9+$0xFFFFFFE0] =	vst v5  }
0x1b6: {  	[tilespmem:s9+$0xFFFFFFF0] =	vst v3  }
0x1b7: {  	[tilespmem:s9+$0x0] =	vst v0  }
0x1b8: {  	[tilespmem:s9+$0x10] =	vst v1  }
0x1b9: {  	[tilespmem:s9+$0x20] =	vst v2  }
0x1ba: {  	[tilespmem:s9+$0xFFFFFFC0] =	vst v4  }
0x1bb: {  	s9 =	rddreg [dreg:$0xd]  }
0x1bc: {  	[hbm4b:s9+s30] =	stream.strided.scatter [tilespmem:s3], [sflag:$0x5], $0x2000, s31, s30, $0x38;
	[tilespmem:$0x1E800] =	vst v63  }
0x1bd: {  	_ =	swait.ge [sflag:s4], $0x2000  }
0x1be: {  	[sflag:s4] =	ssyncset.done $0x0  }
0x1bf: {  	s13 =	simm.s32 $0x2070;
	[sflag:s4] =	ssyncadd.s32 $0xFFFFE000  }
0x1c0: {  	v0 =	vld [tilespmem:s13+$0x0]  }
0x1c1: {  	v1 =	vld [tilespmem:s13+$0xFFFFFFA0]  }
0x1c2: {  	v2 =	vld [tilespmem:s13+$0xFFFFFFB0]  }
0x1c3: {  	v3 =	vld [tilespmem:s13+$0xFFFFFFC0]  }
0x1c4: {  	v4 =	vld [tilespmem:s13+$0xFFFFFFD0]  }
0x1c5: {  	v6 =	vld [tilespmem:s13+$0xFFFFFFE0]  }
0x1c6: {  	v7 =	vld [tilespmem:s13+$0xFFFFFFF0]  }
0x1c7: {  	v8 =	vld [tilespmem:s13+$0xFFFFFF90]  }
0x1c8: {  	v9 =	vld.idx.msk [tilespmem:v0+s10+$0x0], $0xffff  }
0x1c9: {  	v10 =	vld.idx.msk [tilespmem:v1+s10+$0x0], $0xffff  }
0x1ca: {  	v5 =	vld.idx.msk [tilespmem:v2+s10+$0x0], $0xffff  }
0x1cb: {  	v3 =	vld.idx.msk [tilespmem:v3+s10+$0x0], $0xffff  }
0x1cc: {  	v0 =	vld.idx.msk [tilespmem:v4+s10+$0x0], $0xffff  }
0x1cd: {  	s9 =	simm.s32 $0x18040;
	v1 =	vld.idx.msk [tilespmem:v6+s10+$0x0], $0xffff  }
0x1ce: {  	v2 =	vld.idx.msk [tilespmem:v7+s10+$0x0], $0xffff;
	[tilespmem:s9+$0x30] =	vst v9  }
0x1cf: {  	s11 =	simm.s32 $0x0;
	s12 =	simm.s32 $0x20F0;
	v4 =	vld.idx.msk [tilespmem:v8+s10+$0x0], $0xffff;
	[tilespmem:s9+$0xFFFFFFD0] =	vst v10  }
.LBB2_20:
0x1d0: {  	v6 =	vld [tilespmem:s12+$0x0];
	s11 =	sadd.s32 $0x80, s11;
	[tilespmem:s9+$0xFFFFFFE0] =	vst v5  }
0x1d1: {  	v5 =	vld [tilespmem:s12+$0xFFFFFFA0];
	p0 =	slt.u32 s11, $0x1F80;
	[tilespmem:s9+$0xFFFFFFF0] =	vst v3  }
0x1d2: {  	v3 =	vld [tilespmem:s12+$0xFFFFFFB0];
	[tilespmem:s9+$0x0] =	vst v0  }
0x1d3: {  	v0 =	vld [tilespmem:s12+$0xFFFFFFC0];
	[tilespmem:s9+$0x10] =	vst v1  }
0x1d4: {  	v1 =	vld [tilespmem:s12+$0xFFFFFFD0];
	[tilespmem:s9+$0x20] =	vst v2  }
0x1d5: {  	v2 =	vld [tilespmem:s12+$0xFFFFFFE0];
	[tilespmem:s9+$0xFFFFFFC0] =	vst v4  }
0x1d6: {  	v4 =	vld [tilespmem:s12+$0xFFFFFFF0]  }
0x1d7: {  	v7 =	vld [tilespmem:s12+$0xFFFFFF90]  }
0x1d8: {  	v6 =	vld.idx.msk [tilespmem:v6+s10+$0x0], $0xffff  }
0x1d9: {  	v8 =	vld.idx.msk [tilespmem:v5+s10+$0x0], $0xffff  }
0x1da: {  	v5 =	vld.idx.msk [tilespmem:v3+s10+$0x0], $0xffff  }
.Ltmp9:
0x1db: {  	v3 =	vld.idx.msk [tilespmem:v0+s10+$0x0], $0xffff;
	(pc) =	sbr.rel @p0 .LBB2_20-.Ltmp9, $4  }
0x1dc: {  	v0 =	vld.idx.msk [tilespmem:v1+s10+$0x0], $0xffff  }
0x1dd: {  	s9 =	sadd.s32 $0x80, s9;
	v1 =	vld.idx.msk [tilespmem:v2+s10+$0x0], $0xffff  }
0x1de: {  	v2 =	vld.idx.msk [tilespmem:v4+s10+$0x0], $0xffff;
	[tilespmem:s9+$0x30] =	vst v6  }
0x1df: {  	s12 =	sadd.s32 $0x80, s12;
	v4 =	vld.idx.msk [tilespmem:v7+s10+$0x0], $0xffff;
	[tilespmem:s9+$0xFFFFFFD0] =	vst v8  }
0x1e0: {  	[tilespmem:s9+$0xFFFFFFE0] =	vst v5  }
0x1e1: {  	[tilespmem:s9+$0xFFFFFFF0] =	vst v3  }
0x1e2: {  	[tilespmem:s9+$0x0] =	vst v0  }
0x1e3: {  	[tilespmem:s9+$0x10] =	vst v1  }
0x1e4: {  	[tilespmem:s9+$0x20] =	vst v2  }
0x1e5: {  	[tilespmem:s9+$0xFFFFFFC0] =	vst v4  }
0x1e6: {  	[hbm4b:s18+s30] =	stream.strided.scatter [tilespmem:s22], [sflag:$0x3], $0x2000, s31, s30, $0x38;
	[tilespmem:$0x1E800] =	vst v63  }
0x1e7: {  	_ =	swait.ge [sflag:s6], $0x2000  }
0x1e8: {  	[sflag:s6] =	ssyncset.done $0x0  }
0x1e9: {  	s9 =	simm.s32 $0x0;
	[sflag:s6] =	ssyncadd.s32 $0xFFFFE000  }
0x1ea: {  	v1 =	vld [tilespmem:s9+$0x4070]  }
0x1eb: {  	v2 =	vld [tilespmem:s9+$0x4000]  }
0x1ec: {  	v3 =	vld [tilespmem:s9+$0x4010]  }
0x1ed: {  	v4 =	vld [tilespmem:s9+$0x4020]  }
0x1ee: {  	v7 =	vld [tilespmem:s9+$0x4030]  }
0x1ef: {  	v8 =	vld [tilespmem:s9+$0x4040]  }
0x1f0: {  	v9 =	vld [tilespmem:s9+$0x4050]  }
0x1f1: {  	v0 =	vld [tilespmem:s9+$0x4060]  }
0x1f2: {  	v10 =	vld.idx.msk [tilespmem:v1+s10+$0x0], $0xffff  }
0x1f3: {  	v6 =	vld.idx.msk [tilespmem:v2+s10+$0x0], $0xffff  }
0x1f4: {  	v5 =	vld.idx.msk [tilespmem:v3+s10+$0x0], $0xffff  }
0x1f5: {  	v4 =	vld.idx.msk [tilespmem:v4+s10+$0x0], $0xffff  }
0x1f6: {  	v3 =	vld.idx.msk [tilespmem:v7+s10+$0x0], $0xffff  }
0x1f7: {  	v1 =	vld.idx.msk [tilespmem:v8+s10+$0x0], $0xffff  }
0x1f8: {  	s11 =	simm.s32 $0x0;
	s12 =	simm.s32 $0x200;
	v2 =	vld.idx.msk [tilespmem:v9+s10+$0x0], $0xffff;
	[tilespmem:s9+$0x1A070] =	vst v10  }
.LBB2_22:
0x1f9: {  	s13 =	sshra.s32 s12, $0x2;
	s11 =	sadd.s32 $0x80, s11;
	[tilespmem:s9+$0x1A000] =	vst v6;
	v0 =	vld.idx.msk [tilespmem:v0+s10+$0x0], $0xffff  }
0x1fa: {  	v6 =	vld [tilespmem:s13+$0x4070];
	p0 =	slt.u32 s11, $0x1F80;
	[tilespmem:s9+$0x1A010] =	vst v5  }
0x1fb: {  	v5 =	vld [tilespmem:s13+$0x4000];
	[tilespmem:s9+$0x1A020] =	vst v4  }
0x1fc: {  	v4 =	vld [tilespmem:s13+$0x4010];
	[tilespmem:s9+$0x1A030] =	vst v3  }
0x1fd: {  	v3 =	vld [tilespmem:s13+$0x4020];
	[tilespmem:s9+$0x1A040] =	vst v1  }
0x1fe: {  	v1 =	vld [tilespmem:s13+$0x4030];
	[tilespmem:s9+$0x1A050] =	vst v2  }
0x1ff: {  	v2 =	vld [tilespmem:s13+$0x4040];
	[tilespmem:s9+$0x1A060] =	vst v0;
	s9 =	smov.u32 s13  }
0x200: {  	v7 =	vld [tilespmem:s9+$0x4050]  }
0x201: {  	v0 =	vld [tilespmem:s9+$0x4060]  }
0x202: {  	v8 =	vld.idx.msk [tilespmem:v6+s10+$0x0], $0xffff  }
0x203: {  	v6 =	vld.idx.msk [tilespmem:v5+s10+$0x0], $0xffff  }
.Ltmp10:
0x204: {  	v5 =	vld.idx.msk [tilespmem:v4+s10+$0x0], $0xffff;
	(pc) =	sbr.rel @p0 .LBB2_22-.Ltmp10, $4  }
0x205: {  	v4 =	vld.idx.msk [tilespmem:v3+s10+$0x0], $0xffff  }
0x206: {  	v3 =	vld.idx.msk [tilespmem:v1+s10+$0x0], $0xffff  }
0x207: {  	v1 =	vld.idx.msk [tilespmem:v2+s10+$0x0], $0xffff  }
0x208: {  	s12 =	sadd.s32 $0x200, s12;
	v2 =	vld.idx.msk [tilespmem:v7+s10+$0x0], $0xffff;
	[tilespmem:s9+$0x1A070] =	vst v8  }
0x209: {  	_ =	sdelay $0x2  }
0x20a: {  	[tilespmem:s9+$0x1A000] =	vst v6  }
0x20b: {  	v0 =	vld.idx.msk [tilespmem:v0+s10+$0x0], $0xffff;
	[tilespmem:s9+$0x1A010] =	vst v5  }
0x20c: {  	[tilespmem:s9+$0x1A020] =	vst v4  }
0x20d: {  	[tilespmem:s9+$0x1A030] =	vst v3  }
0x20e: {  	[tilespmem:s9+$0x1A040] =	vst v1  }
0x20f: {  	[tilespmem:s9+$0x1A050] =	vst v2  }
0x210: {  	[tilespmem:s9+$0x1A060] =	vst v0  }
0x211: {  	[hbm4b:s19+s30] =	stream.strided.scatter [tilespmem:s2], [sflag:$0x4], $0x2000, s31, s30, $0x38;
	[tilespmem:$0x1E800] =	vst v63  }
0x212: {  	_ =	swait.ge [sflag:s7], $0x2000  }
0x213: {  	[sflag:s7] =	ssyncset.done $0x0  }
0x214: {  	s9 =	simm.s32 $0x0;
	[sflag:s7] =	ssyncadd.s32 $0xFFFFE000  }
0x215: {  	v1 =	vld [tilespmem:s9+$0x6070]  }
0x216: {  	v2 =	vld [tilespmem:s9+$0x6000]  }
0x217: {  	v3 =	vld [tilespmem:s9+$0x6010]  }
0x218: {  	v4 =	vld [tilespmem:s9+$0x6020]  }
0x219: {  	v7 =	vld [tilespmem:s9+$0x6030]  }
0x21a: {  	v8 =	vld [tilespmem:s9+$0x6040]  }
0x21b: {  	v9 =	vld [tilespmem:s9+$0x6050]  }
0x21c: {  	v0 =	vld [tilespmem:s9+$0x6060]  }
0x21d: {  	v10 =	vld.idx.msk [tilespmem:v1+s10+$0x0], $0xffff  }
0x21e: {  	v6 =	vld.idx.msk [tilespmem:v2+s10+$0x0], $0xffff  }
0x21f: {  	v5 =	vld.idx.msk [tilespmem:v3+s10+$0x0], $0xffff  }
0x220: {  	v4 =	vld.idx.msk [tilespmem:v4+s10+$0x0], $0xffff  }
0x221: {  	v3 =	vld.idx.msk [tilespmem:v7+s10+$0x0], $0xffff  }
0x222: {  	v1 =	vld.idx.msk [tilespmem:v8+s10+$0x0], $0xffff  }
0x223: {  	s11 =	simm.s32 $0x0;
	s12 =	simm.s32 $0x200;
	v2 =	vld.idx.msk [tilespmem:v9+s10+$0x0], $0xffff;
	[tilespmem:s9+$0x1C070] =	vst v10  }
.LBB2_24:
0x224: {  	s13 =	sshra.s32 s12, $0x2;
	s11 =	sadd.s32 $0x80, s11;
	[tilespmem:s9+$0x1C000] =	vst v6;
	v0 =	vld.idx.msk [tilespmem:v0+s10+$0x0], $0xffff  }
0x225: {  	v6 =	vld [tilespmem:s13+$0x6070];
	p0 =	slt.u32 s11, $0x1F80;
	[tilespmem:s9+$0x1C010] =	vst v5  }
0x226: {  	v5 =	vld [tilespmem:s13+$0x6000];
	[tilespmem:s9+$0x1C020] =	vst v4  }
0x227: {  	v4 =	vld [tilespmem:s13+$0x6010];
	[tilespmem:s9+$0x1C030] =	vst v3  }
0x228: {  	v3 =	vld [tilespmem:s13+$0x6020];
	[tilespmem:s9+$0x1C040] =	vst v1  }
0x229: {  	v1 =	vld [tilespmem:s13+$0x6030];
	[tilespmem:s9+$0x1C050] =	vst v2  }
0x22a: {  	v2 =	vld [tilespmem:s13+$0x6040];
	[tilespmem:s9+$0x1C060] =	vst v0;
	s9 =	smov.u32 s13  }
0x22b: {  	v7 =	vld [tilespmem:s9+$0x6050]  }
0x22c: {  	v0 =	vld [tilespmem:s9+$0x6060]  }
0x22d: {  	v8 =	vld.idx.msk [tilespmem:v6+s10+$0x0], $0xffff  }
0x22e: {  	v6 =	vld.idx.msk [tilespmem:v5+s10+$0x0], $0xffff  }
.Ltmp11:
0x22f: {  	v5 =	vld.idx.msk [tilespmem:v4+s10+$0x0], $0xffff;
	(pc) =	sbr.rel @p0 .LBB2_24-.Ltmp11, $4  }
0x230: {  	v4 =	vld.idx.msk [tilespmem:v3+s10+$0x0], $0xffff  }
0x231: {  	v3 =	vld.idx.msk [tilespmem:v1+s10+$0x0], $0xffff  }
0x232: {  	v1 =	vld.idx.msk [tilespmem:v2+s10+$0x0], $0xffff  }
0x233: {  	s12 =	sadd.s32 $0x200, s12;
	v2 =	vld.idx.msk [tilespmem:v7+s10+$0x0], $0xffff;
	[tilespmem:s9+$0x1C070] =	vst v8  }
0x234: {  	_ =	sdelay $0x2  }
0x235: {  	[tilespmem:s9+$0x1C000] =	vst v6  }
0x236: {  	v0 =	vld.idx.msk [tilespmem:v0+s10+$0x0], $0xffff;
	[tilespmem:s9+$0x1C010] =	vst v5  }
0x237: {  	[tilespmem:s9+$0x1C020] =	vst v4  }
0x238: {  	[tilespmem:s9+$0x1C030] =	vst v3  }
0x239: {  	[tilespmem:s9+$0x1C040] =	vst v1  }
0x23a: {  	[tilespmem:s9+$0x1C050] =	vst v2  }
0x23b: {  	[tilespmem:s9+$0x1C060] =	vst v0  }
0x23c: {  	[hbm4b:s20+s30] =	stream.strided.scatter [tilespmem:s3], [sflag:$0x5], $0x2000, s31, s30, $0x38;
	[tilespmem:$0x1E800] =	vst v63  }
0x23d: {  	_ =	swait.ge [sflag:s5], $0x8000  }
0x23e: {  	[sflag:s5] =	ssyncset.done $0x0  }
0x23f: {  	[sflag:s5] =	ssyncadd.s32 $0xFFFF8000  }
0x240: {  	_ =	swait.ge [sflag:s4], $0x2000  }
0x241: {  	[sflag:s4] =	ssyncset.done $0x0  }
0x242: {  	s13 =	simm.s32 $0x40;
	[sflag:s4] =	ssyncadd.s32 $0xFFFFE000  }
0x243: {  	v0 =	vld [tilespmem:s13+$0x30]  }
0x244: {  	v1 =	vld [tilespmem:s13+$0xFFFFFFD0]  }
0x245: {  	v2 =	vld [tilespmem:s13+$0xFFFFFFE0]  }
0x246: {  	v3 =	vld [tilespmem:s13+$0xFFFFFFF0]  }
0x247: {  	v4 =	vld [tilespmem:s13+$0x0]  }
0x248: {  	v6 =	vld [tilespmem:s13+$0x10]  }
0x249: {  	v7 =	vld [tilespmem:s13+$0x20]  }
0x24a: {  	v8 =	vld [tilespmem:s13+$0xFFFFFFC0]  }
0x24b: {  	v9 =	vld.idx.msk [tilespmem:v0+s1+$0x0], $0xffff  }
0x24c: {  	v10 =	vld.idx.msk [tilespmem:v1+s1+$0x0], $0xffff  }
0x24d: {  	v5 =	vld.idx.msk [tilespmem:v2+s1+$0x0], $0xffff  }
0x24e: {  	v3 =	vld.idx.msk [tilespmem:v3+s1+$0x0], $0xffff  }
0x24f: {  	v0 =	vld.idx.msk [tilespmem:v4+s1+$0x0], $0xffff  }
0x250: {  	s9 =	simm.s32 $0x18040;
	v1 =	vld.idx.msk [tilespmem:v6+s1+$0x0], $0xffff  }
0x251: {  	v2 =	vld.idx.msk [tilespmem:v7+s1+$0x0], $0xffff;
	[tilespmem:s9+$0x30] =	vst v9  }
0x252: {  	s11 =	simm.s32 $0x0;
	s12 =	simm.s32 $0xC0;
	v4 =	vld.idx.msk [tilespmem:v8+s1+$0x0], $0xffff;
	[tilespmem:s9+$0xFFFFFFD0] =	vst v10  }
.LBB2_26:
0x253: {  	v6 =	vld [tilespmem:s12+$0x30];
	s11 =	sadd.s32 $0x80, s11;
	[tilespmem:s9+$0xFFFFFFE0] =	vst v5  }
0x254: {  	v5 =	vld [tilespmem:s12+$0xFFFFFFD0];
	p0 =	slt.u32 s11, $0x1F80;
	[tilespmem:s9+$0xFFFFFFF0] =	vst v3  }
0x255: {  	v3 =	vld [tilespmem:s12+$0xFFFFFFE0];
	[tilespmem:s9+$0x0] =	vst v0  }
0x256: {  	v0 =	vld [tilespmem:s12+$0xFFFFFFF0];
	[tilespmem:s9+$0x10] =	vst v1  }
0x257: {  	v1 =	vld [tilespmem:s12+$0x0];
	[tilespmem:s9+$0x20] =	vst v2  }
0x258: {  	v2 =	vld [tilespmem:s12+$0x10];
	[tilespmem:s9+$0xFFFFFFC0] =	vst v4  }
0x259: {  	v4 =	vld [tilespmem:s12+$0x20]  }
0x25a: {  	v7 =	vld [tilespmem:s12+$0xFFFFFFC0]  }
0x25b: {  	v6 =	vld.idx.msk [tilespmem:v6+s1+$0x0], $0xffff  }
0x25c: {  	v8 =	vld.idx.msk [tilespmem:v5+s1+$0x0], $0xffff  }
0x25d: {  	v5 =	vld.idx.msk [tilespmem:v3+s1+$0x0], $0xffff  }
.Ltmp12:
0x25e: {  	v3 =	vld.idx.msk [tilespmem:v0+s1+$0x0], $0xffff;
	(pc) =	sbr.rel @p0 .LBB2_26-.Ltmp12, $4  }
0x25f: {  	v0 =	vld.idx.msk [tilespmem:v1+s1+$0x0], $0xffff  }
0x260: {  	s9 =	sadd.s32 $0x80, s9;
	v1 =	vld.idx.msk [tilespmem:v2+s1+$0x0], $0xffff  }
0x261: {  	v2 =	vld.idx.msk [tilespmem:v4+s1+$0x0], $0xffff;
	[tilespmem:s9+$0x30] =	vst v6  }
0x262: {  	s12 =	sadd.s32 $0x80, s12;
	v4 =	vld.idx.msk [tilespmem:v7+s1+$0x0], $0xffff;
	[tilespmem:s9+$0xFFFFFFD0] =	vst v8  }
0x263: {  	[tilespmem:s9+$0xFFFFFFE0] =	vst v5  }
0x264: {  	[tilespmem:s9+$0xFFFFFFF0] =	vst v3  }
0x265: {  	[tilespmem:s9+$0x0] =	vst v0  }
0x266: {  	[tilespmem:s9+$0x10] =	vst v1  }
0x267: {  	[tilespmem:s9+$0x20] =	vst v2  }
0x268: {  	[tilespmem:s9+$0xFFFFFFC0] =	vst v4  }
0x269: {  	s9 =	rddreg [dreg:$0xe]  }
0x26a: {  	[hbm4b:s9+s30] =	stream.strided.scatter [tilespmem:s22], [sflag:$0x3], $0x2000, s31, s30, $0x38;
	[tilespmem:$0x1E800] =	vst v63  }
0x26b: {  	_ =	swait.ge [sflag:s6], $0x2000  }
0x26c: {  	[sflag:s6] =	ssyncset.done $0x0  }
0x26d: {  	s13 =	simm.s32 $0x2070;
	[sflag:s6] =	ssyncadd.s32 $0xFFFFE000  }
0x26e: {  	v0 =	vld [tilespmem:s13+$0x0]  }
0x26f: {  	v1 =	vld [tilespmem:s13+$0xFFFFFFA0]  }
0x270: {  	v2 =	vld [tilespmem:s13+$0xFFFFFFB0]  }
0x271: {  	v3 =	vld [tilespmem:s13+$0xFFFFFFC0]  }
0x272: {  	v4 =	vld [tilespmem:s13+$0xFFFFFFD0]  }
0x273: {  	v6 =	vld [tilespmem:s13+$0xFFFFFFE0]  }
0x274: {  	v7 =	vld [tilespmem:s13+$0xFFFFFFF0]  }
0x275: {  	v8 =	vld [tilespmem:s13+$0xFFFFFF90]  }
0x276: {  	v9 =	vld.idx.msk [tilespmem:v0+s1+$0x0], $0xffff  }
0x277: {  	v10 =	vld.idx.msk [tilespmem:v1+s1+$0x0], $0xffff  }
0x278: {  	v5 =	vld.idx.msk [tilespmem:v2+s1+$0x0], $0xffff  }
0x279: {  	v3 =	vld.idx.msk [tilespmem:v3+s1+$0x0], $0xffff  }
0x27a: {  	v0 =	vld.idx.msk [tilespmem:v4+s1+$0x0], $0xffff  }
0x27b: {  	s9 =	simm.s32 $0x1A040;
	v1 =	vld.idx.msk [tilespmem:v6+s1+$0x0], $0xffff  }
0x27c: {  	v2 =	vld.idx.msk [tilespmem:v7+s1+$0x0], $0xffff;
	[tilespmem:s9+$0x30] =	vst v9  }
0x27d: {  	s11 =	simm.s32 $0x0;
	s12 =	simm.s32 $0x20F0;
	v4 =	vld.idx.msk [tilespmem:v8+s1+$0x0], $0xffff;
	[tilespmem:s9+$0xFFFFFFD0] =	vst v10  }
.LBB2_28:
0x27e: {  	v6 =	vld [tilespmem:s12+$0x0];
	s11 =	sadd.s32 $0x80, s11;
	[tilespmem:s9+$0xFFFFFFE0] =	vst v5  }
0x27f: {  	v5 =	vld [tilespmem:s12+$0xFFFFFFA0];
	p0 =	slt.u32 s11, $0x1F80;
	[tilespmem:s9+$0xFFFFFFF0] =	vst v3  }
0x280: {  	v3 =	vld [tilespmem:s12+$0xFFFFFFB0];
	[tilespmem:s9+$0x0] =	vst v0  }
0x281: {  	v0 =	vld [tilespmem:s12+$0xFFFFFFC0];
	[tilespmem:s9+$0x10] =	vst v1  }
0x282: {  	v1 =	vld [tilespmem:s12+$0xFFFFFFD0];
	[tilespmem:s9+$0x20] =	vst v2  }
0x283: {  	v2 =	vld [tilespmem:s12+$0xFFFFFFE0];
	[tilespmem:s9+$0xFFFFFFC0] =	vst v4  }
0x284: {  	v4 =	vld [tilespmem:s12+$0xFFFFFFF0]  }
0x285: {  	v7 =	vld [tilespmem:s12+$0xFFFFFF90]  }
0x286: {  	v6 =	vld.idx.msk [tilespmem:v6+s1+$0x0], $0xffff  }
0x287: {  	v8 =	vld.idx.msk [tilespmem:v5+s1+$0x0], $0xffff  }
0x288: {  	v5 =	vld.idx.msk [tilespmem:v3+s1+$0x0], $0xffff  }
.Ltmp13:
0x289: {  	v3 =	vld.idx.msk [tilespmem:v0+s1+$0x0], $0xffff;
	(pc) =	sbr.rel @p0 .LBB2_28-.Ltmp13, $4  }
0x28a: {  	v0 =	vld.idx.msk [tilespmem:v1+s1+$0x0], $0xffff  }
0x28b: {  	s9 =	sadd.s32 $0x80, s9;
	v1 =	vld.idx.msk [tilespmem:v2+s1+$0x0], $0xffff  }
0x28c: {  	v2 =	vld.idx.msk [tilespmem:v4+s1+$0x0], $0xffff;
	[tilespmem:s9+$0x30] =	vst v6  }
0x28d: {  	s12 =	sadd.s32 $0x80, s12;
	v4 =	vld.idx.msk [tilespmem:v7+s1+$0x0], $0xffff;
	[tilespmem:s9+$0xFFFFFFD0] =	vst v8  }
0x28e: {  	[tilespmem:s9+$0xFFFFFFE0] =	vst v5  }
0x28f: {  	[tilespmem:s9+$0xFFFFFFF0] =	vst v3  }
0x290: {  	[tilespmem:s9+$0x0] =	vst v0  }
0x291: {  	[tilespmem:s9+$0x10] =	vst v1  }
0x292: {  	[tilespmem:s9+$0x20] =	vst v2  }
0x293: {  	[tilespmem:s9+$0xFFFFFFC0] =	vst v4  }
0x294: {  	[hbm4b:s21+s30] =	stream.strided.scatter [tilespmem:s2], [sflag:$0x4], $0x2000, s31, s30, $0x38;
	[tilespmem:$0x1E800] =	vst v63  }
0x295: {  	_ =	swait.ge [sflag:s7], $0x2000  }
0x296: {  	[sflag:s7] =	ssyncset.done $0x0  }
0x297: {  	s9 =	simm.s32 $0x0;
	[sflag:s7] =	ssyncadd.s32 $0xFFFFE000  }
0x298: {  	v1 =	vld [tilespmem:s9+$0x4070]  }
0x299: {  	v2 =	vld [tilespmem:s9+$0x4000]  }
0x29a: {  	v3 =	vld [tilespmem:s9+$0x4010]  }
0x29b: {  	v4 =	vld [tilespmem:s9+$0x4020]  }
0x29c: {  	v7 =	vld [tilespmem:s9+$0x4030]  }
0x29d: {  	v8 =	vld [tilespmem:s9+$0x4040]  }
0x29e: {  	v9 =	vld [tilespmem:s9+$0x4050]  }
0x29f: {  	v0 =	vld [tilespmem:s9+$0x4060]  }
0x2a0: {  	v10 =	vld.idx.msk [tilespmem:v1+s1+$0x0], $0xffff  }
0x2a1: {  	v6 =	vld.idx.msk [tilespmem:v2+s1+$0x0], $0xffff  }
0x2a2: {  	v5 =	vld.idx.msk [tilespmem:v3+s1+$0x0], $0xffff  }
0x2a3: {  	v4 =	vld.idx.msk [tilespmem:v4+s1+$0x0], $0xffff  }
0x2a4: {  	v3 =	vld.idx.msk [tilespmem:v7+s1+$0x0], $0xffff  }
0x2a5: {  	v1 =	vld.idx.msk [tilespmem:v8+s1+$0x0], $0xffff  }
0x2a6: {  	s11 =	simm.s32 $0x0;
	s12 =	simm.s32 $0x200;
	v2 =	vld.idx.msk [tilespmem:v9+s1+$0x0], $0xffff;
	[tilespmem:s9+$0x1C070] =	vst v10  }
.LBB2_30:
0x2a7: {  	s13 =	sshra.s32 s12, $0x2;
	s11 =	sadd.s32 $0x80, s11;
	[tilespmem:s9+$0x1C000] =	vst v6;
	v0 =	vld.idx.msk [tilespmem:v0+s1+$0x0], $0xffff  }
0x2a8: {  	v6 =	vld [tilespmem:s13+$0x4070];
	p0 =	slt.u32 s11, $0x1F80;
	[tilespmem:s9+$0x1C010] =	vst v5  }
0x2a9: {  	v5 =	vld [tilespmem:s13+$0x4000];
	[tilespmem:s9+$0x1C020] =	vst v4  }
0x2aa: {  	v4 =	vld [tilespmem:s13+$0x4010];
	[tilespmem:s9+$0x1C030] =	vst v3  }
0x2ab: {  	v3 =	vld [tilespmem:s13+$0x4020];
	[tilespmem:s9+$0x1C040] =	vst v1  }
0x2ac: {  	v1 =	vld [tilespmem:s13+$0x4030];
	[tilespmem:s9+$0x1C050] =	vst v2  }
0x2ad: {  	v2 =	vld [tilespmem:s13+$0x4040];
	[tilespmem:s9+$0x1C060] =	vst v0;
	s9 =	smov.u32 s13  }
0x2ae: {  	v7 =	vld [tilespmem:s9+$0x4050]  }
0x2af: {  	v0 =	vld [tilespmem:s9+$0x4060]  }
0x2b0: {  	v8 =	vld.idx.msk [tilespmem:v6+s1+$0x0], $0xffff  }
0x2b1: {  	v6 =	vld.idx.msk [tilespmem:v5+s1+$0x0], $0xffff  }
.Ltmp14:
0x2b2: {  	v5 =	vld.idx.msk [tilespmem:v4+s1+$0x0], $0xffff;
	(pc) =	sbr.rel @p0 .LBB2_30-.Ltmp14, $4  }
0x2b3: {  	v4 =	vld.idx.msk [tilespmem:v3+s1+$0x0], $0xffff  }
0x2b4: {  	v3 =	vld.idx.msk [tilespmem:v1+s1+$0x0], $0xffff  }
0x2b5: {  	v1 =	vld.idx.msk [tilespmem:v2+s1+$0x0], $0xffff  }
0x2b6: {  	s12 =	sadd.s32 $0x200, s12;
	v2 =	vld.idx.msk [tilespmem:v7+s1+$0x0], $0xffff;
	[tilespmem:s9+$0x1C070] =	vst v8  }
0x2b7: {  	_ =	sdelay $0x2  }
0x2b8: {  	[tilespmem:s9+$0x1C000] =	vst v6  }
0x2b9: {  	v0 =	vld.idx.msk [tilespmem:v0+s1+$0x0], $0xffff;
	[tilespmem:s9+$0x1C010] =	vst v5  }
0x2ba: {  	[tilespmem:s9+$0x1C020] =	vst v4  }
0x2bb: {  	[tilespmem:s9+$0x1C030] =	vst v3  }
0x2bc: {  	[tilespmem:s9+$0x1C040] =	vst v1  }
0x2bd: {  	[tilespmem:s9+$0x1C050] =	vst v2  }
0x2be: {  	[tilespmem:s9+$0x1C060] =	vst v0  }
0x2bf: {  	[hbm4b:s23+s30] =	stream.strided.scatter [tilespmem:s3], [sflag:$0x5], $0x2000, s31, s30, $0x38;
	[tilespmem:$0x1E800] =	vst v63  }
0x2c0: {  	_ =	swait.ge [sflag:s4], $0x2000  }
0x2c1: {  	[sflag:s4] =	ssyncset.done $0x0  }
0x2c2: {  	s9 =	simm.s32 $0x0;
	[sflag:s4] =	ssyncadd.s32 $0xFFFFE000  }
0x2c3: {  	v1 =	vld [tilespmem:s9+$0x6070]  }
0x2c4: {  	v2 =	vld [tilespmem:s9+$0x6000]  }
0x2c5: {  	v3 =	vld [tilespmem:s9+$0x6010]  }
0x2c6: {  	v4 =	vld [tilespmem:s9+$0x6020]  }
0x2c7: {  	v7 =	vld [tilespmem:s9+$0x6030]  }
0x2c8: {  	v8 =	vld [tilespmem:s9+$0x6040]  }
0x2c9: {  	v9 =	vld [tilespmem:s9+$0x6050]  }
0x2ca: {  	v0 =	vld [tilespmem:s9+$0x6060]  }
0x2cb: {  	v10 =	vld.idx.msk [tilespmem:v1+s1+$0x0], $0xffff  }
0x2cc: {  	v6 =	vld.idx.msk [tilespmem:v2+s1+$0x0], $0xffff  }
0x2cd: {  	v5 =	vld.idx.msk [tilespmem:v3+s1+$0x0], $0xffff  }
0x2ce: {  	v4 =	vld.idx.msk [tilespmem:v4+s1+$0x0], $0xffff  }
0x2cf: {  	v3 =	vld.idx.msk [tilespmem:v7+s1+$0x0], $0xffff  }
0x2d0: {  	v1 =	vld.idx.msk [tilespmem:v8+s1+$0x0], $0xffff  }
0x2d1: {  	s11 =	simm.s32 $0x0;
	s12 =	simm.s32 $0x200;
	v2 =	vld.idx.msk [tilespmem:v9+s1+$0x0], $0xffff;
	[tilespmem:s9+$0x18070] =	vst v10  }
.LBB2_32:
0x2d2: {  	s13 =	sshra.s32 s12, $0x2;
	s11 =	sadd.s32 $0x80, s11;
	[tilespmem:s9+$0x18000] =	vst v6;
	v0 =	vld.idx.msk [tilespmem:v0+s1+$0x0], $0xffff  }
0x2d3: {  	v6 =	vld [tilespmem:s13+$0x6070];
	p0 =	slt.u32 s11, $0x1F80;
	[tilespmem:s9+$0x18010] =	vst v5  }
0x2d4: {  	v5 =	vld [tilespmem:s13+$0x6000];
	[tilespmem:s9+$0x18020] =	vst v4  }
0x2d5: {  	v4 =	vld [tilespmem:s13+$0x6010];
	[tilespmem:s9+$0x18030] =	vst v3  }
0x2d6: {  	v3 =	vld [tilespmem:s13+$0x6020];
	[tilespmem:s9+$0x18040] =	vst v1  }
0x2d7: {  	v1 =	vld [tilespmem:s13+$0x6030];
	[tilespmem:s9+$0x18050] =	vst v2  }
0x2d8: {  	v2 =	vld [tilespmem:s13+$0x6040];
	[tilespmem:s9+$0x18060] =	vst v0;
	s9 =	smov.u32 s13  }
0x2d9: {  	v7 =	vld [tilespmem:s9+$0x6050]  }
0x2da: {  	v0 =	vld [tilespmem:s9+$0x6060]  }
0x2db: {  	v8 =	vld.idx.msk [tilespmem:v6+s1+$0x0], $0xffff  }
0x2dc: {  	v6 =	vld.idx.msk [tilespmem:v5+s1+$0x0], $0xffff  }
.Ltmp15:
0x2dd: {  	v5 =	vld.idx.msk [tilespmem:v4+s1+$0x0], $0xffff;
	(pc) =	sbr.rel @p0 .LBB2_32-.Ltmp15, $4  }
0x2de: {  	v4 =	vld.idx.msk [tilespmem:v3+s1+$0x0], $0xffff  }
0x2df: {  	v3 =	vld.idx.msk [tilespmem:v1+s1+$0x0], $0xffff  }
0x2e0: {  	v1 =	vld.idx.msk [tilespmem:v2+s1+$0x0], $0xffff  }
0x2e1: {  	s12 =	sadd.s32 $0x200, s12;
	v2 =	vld.idx.msk [tilespmem:v7+s1+$0x0], $0xffff;
	[tilespmem:s9+$0x18070] =	vst v8  }
0x2e2: {  	_ =	sdelay $0x2  }
0x2e3: {  	[tilespmem:s9+$0x18000] =	vst v6  }
0x2e4: {  	v0 =	vld.idx.msk [tilespmem:v0+s1+$0x0], $0xffff;
	[tilespmem:s9+$0x18010] =	vst v5  }
0x2e5: {  	[tilespmem:s9+$0x18020] =	vst v4  }
0x2e6: {  	[tilespmem:s9+$0x18030] =	vst v3  }
0x2e7: {  	[tilespmem:s9+$0x18040] =	vst v1  }
0x2e8: {  	[tilespmem:s9+$0x18050] =	vst v2  }
0x2e9: {  	[tilespmem:s9+$0x18060] =	vst v0  }
0x2ea: {  	[hbm4b:s24+s30] =	stream.strided.scatter [tilespmem:s22], [sflag:$0x3], $0x2000, s31, s30, $0x38;
	[tilespmem:$0x1E800] =	vst v63  }
0x2eb: {  	_ =	swait.ge [sflag:s4], $0x2000  }
0x2ec: {  	[sflag:s4] =	ssyncset.done $0x0  }
0x2ed: {  	s8 =	sadd.s32 $0x1, s8;
	[sflag:s4] =	ssyncadd.s32 $0xFFFFE000  }
0x2ee: {  	p0 =	sne.s32 s8, s26;
	_ =	swait.ge [sflag:s6], $0x2000  }
.Ltmp16:
0x2ef: {  	[sflag:s6] =	ssyncset.done $0x0;
	(pc) =	sbr.rel @p0 .LBB2_1-.Ltmp16, $4  }
0x2f0: {  	[sflag:s6] =	ssyncadd.s32 $0xFFFFE000  }
0x2f1: {  	_ =	swait.ge [sflag:s7], $0x2000  }
0x2f2: {  	[sflag:s7] =	ssyncset.done $0x0  }
0x2f3: {  	[sflag:s7] =	ssyncadd.s32 $0xFFFFE000  }
0x2f4: {  	_ =	sfence.sel $0x180000  }
0x2f5: {  	[bflag:$0x0] =	sbarrier.arrive $0xFFFF  }
0x2f6: {  	_ =	strace $0x90000047  }
0x2f7: {  	s0 =	stileid.u32;
	[bflag:$0x2] =	sbarrier.arrive $0xFFFF  }
0x2f8: {  	p0 =	sne.s32 s0, $0x0;
	s0 =	rddreg [dreg:$0x5]  }
0x2f9: {  	s0 =	sadd.s32 @!p0 $0x100000, s0  }
0x2fa: {  	[sflag:s0] =	ssyncadd.tile.s32 @!p0 $0x1;
	_ =	shalt  }
.Lfunc_end2:
_tile_overlayer_lowered:
.L_overlay_start_2:
0x2fb: {  	(tag) =	ssettag $0x2  }
0x2fc: {  	s0 =	rddreg [dreg:$0x0];
	s2 =	stileid.u32  }
0x2fd: {  	s1 =	rddreg [dreg:$0x1];
	p0 =	sne.s32 s2, $0x0  }
0x2fe: {  	s3 =	rddreg [dreg:$0x2];
	[bflag:$0x3] =	sbarrier.arrive $0xFFFF;
	s2 =	simm.s32 @!p0 $0x1C06  }
0x2ff: {  	[timem:s3], [sflag:s2] =	dma.local @!p0 [hbm:s0], s1  }
0x300: {  	s0 =	simm.s32 @!p0 $0x6  }
0x301: {  	_ =	swait.ge @!p0 [sflag:s0], s1  }
0x302: {  	s1 =	ssub.s32 @!p0 $0x0, s1;
	[sflag:s0] =	ssyncset.done @!p0 $0x0  }
0x303: {  	[sflag:s0] =	ssyncadd.s32 @!p0 s1  }
0x304: {  	[bflag:$0x3] =	sbarrier.arrive $0xFFFF  }
0x305: {  	_ =	shalt  }

</sc_bundles>
